<compile_context>
chip_gen: v7x
topology: tpu7x:2x2x1
jax: 0.10.2.dev20260603
libtpu: 0.0.44.dev20260713+nightly
codegen_flags: <defaults>
</compile_context>

<pallas_src>
import functools

import jax
import jax.numpy as jnp
from jax import lax
from jax.experimental import pallas as pl
from jax.experimental.pallas import tpu as pltpu
from jax.experimental.pallas import tpu_sc as plsc

_EPS = 1e-5
_B = 16384
_D = 64
_F = 2 * _D
_NC = 2
_NS = 16
_NW = _NC * _NS
_BPW = _B // _NW
_CH = 256


def _make_sc_gather():
    mesh = plsc.VectorSubcoreMesh(core_axis_name="c", subcore_axis_name="s")
    out_t = tuple(
        jax.ShapeDtypeStruct((_B, _D), jnp.float32) for _ in range(4)
    )

    @functools.partial(
        pl.kernel,
        mesh=mesh,
        out_type=out_t,
        scratch_types=[
            pltpu.VMEM((_BPW,), jnp.int32),
            pltpu.VMEM((_BPW,), jnp.int32),
            pltpu.SemaphoreType.DMA,
            pltpu.SemaphoreType.DMA,
            pltpu.SemaphoreType.DMA,
            pltpu.SemaphoreType.DMA,
        ],
    )
    def sc_gather(ug_hbm, um_hbm, ig_hbm, im_hbm, uid_hbm, iid_hbm,
                  oug, oum, oig, oim,
                  us, its, sem0, sem1, sem2, sem3):
        wid = lax.axis_index("s") * _NC + lax.axis_index("c")
        base = wid * _BPW
        pltpu.sync_copy(uid_hbm.at[pl.ds(base, _BPW)], us)
        pltpu.sync_copy(iid_hbm.at[pl.ds(base, _BPW)], its)

        work = [
            (ug_hbm, us, oug, sem0),
            (um_hbm, us, oum, sem1),
            (ig_hbm, its, oig, sem2),
            (im_hbm, its, oim, sem3),
        ]
        for tbl, idx_s, out, sem in work:
            def body(g, _, tbl=tbl, idx_s=idx_s, out=out, sem=sem):
                v = idx_s[pl.ds(g * 16, 16)]
                for l in range(16):
                    pltpu.async_copy(
                        tbl.at[pl.ds(v[l], 1)],
                        out.at[pl.ds(base + g * 16 + l, 1)],
                        sem)
                return 0

            lax.fori_loop(0, _BPW // 16, body, 0)
        for tbl, idx_s, out, sem in work:
            pltpu.make_async_copy(
                tbl.at[pl.ds(0, _BPW)],
                out.at[pl.ds(base, _BPW)],
                sem).wait()

    return sc_gather


_SC_GATHER_CACHE = []


def _sc_gather(*args):
    if not _SC_GATHER_CACHE:
        _SC_GATHER_CACHE.append(_make_sc_gather())
    return _SC_GATHER_CACHE[0](*args)


_BLK = 4096


def _tc_body(ug_r, um_r, ig_r, im_r,
             w1u_r, w1i_r, b1_r, s1_r, e1_r,
             w2_r, b2_r, s2_r, e2_r,
             w3_r, b3_r, s3_r, e3_r,
             wfg_r, wfh_r, bf_r, out_r):
    um = um_r[...]
    im = im_r[...]
    h = jnp.dot(um, w1u_r[...], preferred_element_type=jnp.float32)
    h += jnp.dot(im, w1i_r[...], preferred_element_type=jnp.float32)
    h = jnp.maximum(h + b1_r[...], 0.0) * s1_r[...] + e1_r[...]
    h = jnp.dot(h, w2_r[...], preferred_element_type=jnp.float32)
    h = jnp.maximum(h + b2_r[...], 0.0) * s2_r[...] + e2_r[...]
    h = jnp.dot(h, w3_r[...], preferred_element_type=jnp.float32)
    h = jnp.maximum(h + b3_r[...], 0.0) * s3_r[...] + e3_r[...]
    g = ug_r[...] * ig_r[...]
    logit = jnp.sum(g * wfg_r[...] + h * wfh_r[...], axis=1) + bf_r[0, 0]
    out_r[...] = jax.nn.sigmoid(logit)


def _tc_forward(rug, rum, rig, rim, w1u, w1i, b1, s1, e1,
                w2, b2, s2, e2, w3, b3, s3, e3, wfg, wfh, bf):
    n_blk = _B // _BLK
    row_spec = pl.BlockSpec((_BLK, _D), lambda i: (i, 0))

    def full(shape):
        return pl.BlockSpec(shape, lambda i: tuple(0 for _ in shape))

    return pl.pallas_call(
        _tc_body,
        grid=(n_blk,),
        in_specs=[
            row_spec, row_spec, row_spec, row_spec,
            full((_D, 256)), full((_D, 256)), full((1, 256)), full((1, 256)),
            full((1, 256)),
            full((256, 128)), full((1, 128)), full((1, 128)), full((1, 128)),
            full((128, 64)), full((1, 64)), full((1, 64)), full((1, 64)),
            full((1, _D)), full((1, _D)), full((1, 1)),
        ],
        out_specs=pl.BlockSpec((_BLK,), lambda i: (i,)),
        out_shape=jax.ShapeDtypeStruct((_B,), jnp.float32),
    )(rug, rum, rig, rim, w1u, w1i, b1, s1, e1,
      w2, b2, s2, e2, w3, b3, s3, e3, wfg, wfh, bf)


def kernel(user_ids, item_ids, user_gmf, item_gmf, user_mlp, item_mlp,
           W1, b1, g1, be1, W2, b2, g2, be2, W3, b3, g3, be3, Wf, bf):
    rug, rum, rig, rim = _sc_gather(
        user_gmf, user_mlp, item_gmf, item_mlp, user_ids, item_ids)

    inv = 1.0 / jnp.sqrt(jnp.float32(1.0) + jnp.float32(_EPS))
    s1 = (g1 * inv).reshape(1, -1)
    s2 = (g2 * inv).reshape(1, -1)
    s3 = (g3 * inv).reshape(1, -1)
    return _tc_forward(
        rug, rum, rig, rim,
        W1[:_D], W1[_D:], b1.reshape(1, -1), s1, be1.reshape(1, -1),
        W2, b2.reshape(1, -1), s2, be2.reshape(1, -1),
        W3, b3.reshape(1, -1), s3, be3.reshape(1, -1),
        Wf[:_D, 0].reshape(1, -1), Wf[_D:, 0].reshape(1, -1),
        bf.reshape(1, 1),
    )

# --- scband reference (transcript-rebuilt; emitter-appended) ---
"""Pipeline reference for scband-neural-collaborative-filter-40346922779346 (READ-ONLY COPY).

The authoritative reference and input builder live on the scoring server;
editing this copy changes nothing except your own understanding.
"""

import jax, jax.numpy as jnp
import numpy as np

_EPS = 1e-5

def _bn_eval(x, gamma, beta):
    # eval-mode BatchNorm1d with freshly initialized running stats (mean=0, var=1)
    return gamma * x / jnp.sqrt(1.0 + _EPS) + beta

def setup_inputs(seed: int = 0) -> dict:
    key = jax.random.key(seed)
    ks = jax.random.split(key, 24)
    num_users, num_items, D, B = 100000, 100000, 64, 16384
    dims = [2 * D, 256, 128, 64]
    inp = {}
    inp['user_ids'] = jax.random.randint(ks[0], (B,), 0, num_users, dtype=jnp.int32)
    inp['item_ids'] = jax.random.randint(ks[1], (B,), 0, num_items, dtype=jnp.int32)
    inp['user_gmf'] = 0.01 * jax.random.normal(ks[2], (num_users, D), dtype=jnp.float32)
    inp['item_gmf'] = 0.01 * jax.random.normal(ks[3], (num_items, D), dtype=jnp.float32)
    inp['user_mlp'] = 0.01 * jax.random.normal(ks[4], (num_users, D), dtype=jnp.float32)
    inp['item_mlp'] = 0.01 * jax.random.normal(ks[5], (num_items, D), dtype=jnp.float32)
    for i in range(3):
        bound = 1.0 / np.sqrt(dims[i])
        inp['W%d' % (i + 1)] = jax.random.uniform(ks[6 + 2 * i], (dims[i], dims[i + 1]), minval=-bound, maxval=bound, dtype=jnp.float32)
        inp['b%d' % (i + 1)] = jax.random.uniform(ks[7 + 2 * i], (dims[i + 1],), minval=-bound, maxval=bound, dtype=jnp.float32)
        inp['g%d' % (i + 1)] = jnp.ones((dims[i + 1],), dtype=jnp.float32)
        inp['be%d' % (i + 1)] = jnp.zeros((dims[i + 1],), dtype=jnp.float32)
    bound = 1.0 / np.sqrt(D + dims[-1])
    inp['Wf'] = jax.random.uniform(ks[12], (D + dims[-1], 1), minval=-bound, maxval=bound, dtype=jnp.float32)
    inp['bf'] = jax.random.uniform(ks[13], (1,), minval=-bound, maxval=bound, dtype=jnp.float32)
    return inp

def reference(user_ids, item_ids, user_gmf, item_gmf, user_mlp, item_mlp,
              W1, b1, g1, be1, W2, b2, g2, be2, W3, b3, g3, be3, Wf, bf):
    # GMF path: gather + elementwise product
    ug = jnp.take(user_gmf, user_ids, axis=0)
    ig = jnp.take(item_gmf, item_ids, axis=0)
    gmf = ug * ig
    # MLP path: gather + concat + MLP (Linear -> ReLU -> BN(eval) -> Dropout(identity in eval))
    um = jnp.take(user_mlp, user_ids, axis=0)
    im = jnp.take(item_mlp, item_ids, axis=0)
    h = jnp.concatenate([um, im], axis=-1)
    for W, b, g, be in ((W1, b1, g1, be1), (W2, b2, g2, be2), (W3, b3, g3, be3)):
        h = jax.nn.relu(h @ W + b)
        h = _bn_eval(h, g, be)
    concat = jnp.concatenate([gmf, h], axis=-1)
    pred = jax.nn.sigmoid(concat @ Wf + bf)
    return pred.squeeze(-1)

if __name__ == "__main__":
    import jax
    _d = setup_inputs()
    print(jax.jit(kernel)(*tuple(_d.values())))

</pallas_src>

<mosaic_0001>
#map = affine_map<(d0, d1) -> (0, 0)>
#map1 = affine_map<(d0, d1) -> (0)>
module attributes {stable_mosaic.version = 14 : i64} {
  func.func @sc_gather(%arg0: i32, %arg1: i32, %arg2: memref<100000x64xf32, #tpu.memory_space<hbm>>, %arg3: memref<100000x64xf32, #tpu.memory_space<hbm>>, %arg4: memref<100000x64xf32, #tpu.memory_space<hbm>>, %arg5: memref<100000x64xf32, #tpu.memory_space<hbm>>, %arg6: memref<16384xi32, #tpu.memory_space<hbm>>, %arg7: memref<16384xi32, #tpu.memory_space<hbm>>, %arg8: memref<16384x64xf32, #tpu.memory_space<hbm>>, %arg9: memref<16384x64xf32, #tpu.memory_space<hbm>>, %arg10: memref<16384x64xf32, #tpu.memory_space<hbm>>, %arg11: memref<16384x64xf32, #tpu.memory_space<hbm>>, %arg12: memref<512xi32, #tpu.memory_space<vmem>>, %arg13: memref<512xi32, #tpu.memory_space<vmem>>, %arg14: memref<!tpu.dma_semaphore, #tpu.memory_space<semaphore_mem>>, %arg15: memref<!tpu.dma_semaphore, #tpu.memory_space<semaphore_mem>>, %arg16: memref<!tpu.dma_semaphore, #tpu.memory_space<semaphore_mem>>, %arg17: memref<!tpu.dma_semaphore, #tpu.memory_space<semaphore_mem>>) attributes {dimension_semantics = [#tpu.dimension_semantics<core_parallel>, #tpu.dimension_semantics<subcore_parallel>], iteration_bounds = array<i64: 2, 16>, scalar_prefetch = 0 : i64, scratch_operands = 6 : i64, tpu.core_type = #tpu.core_type<sc_vector_subcore>, window_params = [{transform_indices = #map}, {transform_indices = #map}, {transform_indices = #map}, {transform_indices = #map}, {transform_indices = #map1}, {transform_indices = #map1}, {transform_indices = #map}, {transform_indices = #map}, {transform_indices = #map}, {transform_indices = #map}]} {
    %mul3A = arith.constant 2 : i32
    %mul3A_0 = arith.muli %arg1, %mul3A : i32
    %add3A = arith.addi %mul3A_0, %arg0 : i32
    %mul3A_1 = arith.constant 512 : i32
    %mul3A_2 = arith.muli %add3A, %mul3A_1 : i32
    "tpu.region"() ({
      %run_scoped3A = tpu.sem_alloc : memref<!tpu.dma_semaphore, #tpu.memory_space<semaphore_mem>>
      %dma_start3A = tpu.memref_slice %arg6[%mul3A_2] : memref<16384xi32, #tpu.memory_space<hbm>> -> memref<512xi32, #tpu.memory_space<hbm>>
      %dma_start3A_49 = tpu.memref_slice %arg6[%mul3A_2] : memref<16384xi32, #tpu.memory_space<hbm>> -> memref<512xi32, #tpu.memory_space<hbm>>
      tpu.enqueue_dma source(%dma_start3A_49 : memref<512xi32, #tpu.memory_space<hbm>>) target(%arg12 : memref<512xi32, #tpu.memory_space<vmem>>) target_semaphore(%run_scoped3A : memref<!tpu.dma_semaphore, #tpu.memory_space<semaphore_mem>>)
      %dma_wait3A_50 = tpu.memref_slice %arg6[%mul3A_2] : memref<16384xi32, #tpu.memory_space<hbm>> -> memref<512xi32, #tpu.memory_space<hbm>>
      %dma_wait3A_51 = tpu.memref_slice %arg6[%mul3A_2] : memref<16384xi32, #tpu.memory_space<hbm>> -> memref<512xi32, #tpu.memory_space<hbm>>
      tpu.wait_dma2 semaphore(%run_scoped3A : memref<!tpu.dma_semaphore, #tpu.memory_space<semaphore_mem>>) src(%dma_wait3A_51 : memref<512xi32, #tpu.memory_space<hbm>>) dst(%arg12 : memref<512xi32, #tpu.memory_space<vmem>>)
      tpu.yield
    }) : () -> ()
    "tpu.region"() ({
      %run_scoped3A = tpu.sem_alloc : memref<!tpu.dma_semaphore, #tpu.memory_space<semaphore_mem>>
      %dma_start3A = tpu.memref_slice %arg7[%mul3A_2] : memref<16384xi32, #tpu.memory_space<hbm>> -> memref<512xi32, #tpu.memory_space<hbm>>
      %dma_start3A_49 = tpu.memref_slice %arg7[%mul3A_2] : memref<16384xi32, #tpu.memory_space<hbm>> -> memref<512xi32, #tpu.memory_space<hbm>>
      tpu.enqueue_dma source(%dma_start3A_49 : memref<512xi32, #tpu.memory_space<hbm>>) target(%arg13 : memref<512xi32, #tpu.memory_space<vmem>>) target_semaphore(%run_scoped3A : memref<!tpu.dma_semaphore, #tpu.memory_space<semaphore_mem>>)
      %dma_wait3A_50 = tpu.memref_slice %arg7[%mul3A_2] : memref<16384xi32, #tpu.memory_space<hbm>> -> memref<512xi32, #tpu.memory_space<hbm>>
      %dma_wait3A_51 = tpu.memref_slice %arg7[%mul3A_2] : memref<16384xi32, #tpu.memory_space<hbm>> -> memref<512xi32, #tpu.memory_space<hbm>>
      tpu.wait_dma2 semaphore(%run_scoped3A : memref<!tpu.dma_semaphore, #tpu.memory_space<semaphore_mem>>) src(%dma_wait3A_51 : memref<512xi32, #tpu.memory_space<hbm>>) dst(%arg13 : memref<512xi32, #tpu.memory_space<vmem>>)
      tpu.yield
    }) : () -> ()
    %scan3A = arith.constant 0 : i32
    %scan3A_3 = arith.constant 0 : i32
    %scan3A_4 = arith.constant 32 : i32
    %scan3A_5 = arith.addi %scan3A_3, %scan3A_4 : i32
    %scan3A_6 = arith.constant 1 : i32
    %scan3A_7 = scf.for %scan3A_49 = %scan3A_3 to %scan3A_5 step %scan3A_6 iter_args(%scan3A_50 = %scan3A) -> (i32)  : i32 {
      %mul3A_51 = arith.constant 16 : i32
      %mul3A_52 = arith.muli %scan3A_49, %mul3A_51 : i32
      %get3A = arith.index_cast %mul3A_52 : i32 to index
      %get3A_53 = tpu.vector_load %arg12[%get3A] {strides = array<i32>} : memref<512xi32, #tpu.memory_space<vmem>>, vector<16xi32>,
      %get3A_54 = vector.shape_cast %get3A_53 : vector<16xi32> to vector<16xi32>
      %slice3A = vector.extract_strided_slice %get3A_54 {offsets = [0], sizes = [1], strides = [1]} : vector<16xi32> to vector<1xi32>
      %squeeze3A = vector.extract %slice3A[0] : i32 from vector<1xi32>
      %mul3A_55 = arith.constant 16 : i32
      %mul3A_56 = arith.muli %scan3A_49, %mul3A_55 : i32
      %add3A_57 = arith.addi %mul3A_2, %mul3A_56 : i32
      %add3A_58 = arith.constant 0 : i32
      %add3A_59 = arith.addi %add3A_57, %add3A_58 : i32
      %dma_start3A = arith.constant 0 : i32
      %dma_start3A_60 = tpu.memref_slice %arg8[%add3A_59, %dma_start3A] : memref<16384x64xf32, #tpu.memory_space<hbm>> -> memref<1x64xf32, #tpu.memory_space<hbm>>
      %dma_start3A_61 = arith.constant 0 : i32
      %dma_start3A_62 = tpu.memref_slice %arg2[%squeeze3A, %dma_start3A_61] : memref<100000x64xf32, #tpu.memory_space<hbm>> -> memref<1x64xf32, #tpu.memory_space<hbm>>
      tpu.enqueue_dma source(%dma_start3A_62 : memref<1x64xf32, #tpu.memory_space<hbm>>) target(%dma_start3A_60 : memref<1x64xf32, #tpu.memory_space<hbm>>) target_semaphore(%arg14 : memref<!tpu.dma_semaphore, #tpu.memory_space<semaphore_mem>>)
      %slice3A_63 = vector.extract_strided_slice %get3A_54 {offsets = [1], sizes = [1], strides = [1]} : vector<16xi32> to vector<1xi32>
      %squeeze3A_64 = vector.extract %slice3A_63[0] : i32 from vector<1xi32>
      %mul3A_65 = arith.constant 16 : i32
      %mul3A_66 = arith.muli %scan3A_49, %mul3A_65 : i32
      %add3A_67 = arith.addi %mul3A_2, %mul3A_66 : i32
      %add3A_68 = arith.constant 1 : i32
      %add3A_69 = arith.addi %add3A_67, %add3A_68 : i32
      %dma_start3A_70 = arith.constant 0 : i32
      %dma_start3A_71 = tpu.memref_slice %arg8[%add3A_69, %dma_start3A_70] : memref<16384x64xf32, #tpu.memory_space<hbm>> -> memref<1x64xf32, #tpu.memory_space<hbm>>
      %dma_start3A_72 = arith.constant 0 : i32
      %dma_start3A_73 = tpu.memref_slice %arg2[%squeeze3A_64, %dma_start3A_72] : memref<100000x64xf32, #tpu.memory_space<hbm>> -> memref<1x64xf32, #tpu.memory_space<hbm>>
      tpu.enqueue_dma source(%dma_start3A_73 : memref<1x64xf32, #tpu.memory_space<hbm>>) target(%dma_start3A_71 : memref<1x64xf32, #tpu.memory_space<hbm>>) target_semaphore(%arg14 : memref<!tpu.dma_semaphore, #tpu.memory_space<semaphore_mem>>)
      %slice3A_74 = vector.extract_strided_slice %get3A_54 {offsets = [2], sizes = [1], strides = [1]} : vector<16xi32> to vector<1xi32>
      %squeeze3A_75 = vector.extract %slice3A_74[0] : i32 from vector<1xi32>
      %mul3A_76 = arith.constant 16 : i32
      %mul3A_77 = arith.muli %scan3A_49, %mul3A_76 : i32
      %add3A_78 = arith.addi %mul3A_2, %mul3A_77 : i32
      %add3A_79 = arith.constant 2 : i32
      %add3A_80 = arith.addi %add3A_78, %add3A_79 : i32
      %dma_start3A_81 = arith.constant 0 : i32
      %dma_start3A_82 = tpu.memref_slice %arg8[%add3A_80, %dma_start3A_81] : memref<16384x64xf32, #tpu.memory_space<hbm>> -> memref<1x64xf32, #tpu.memory_space<hbm>>
      %dma_start3A_83 = arith.constant 0 : i32
      %dma_start3A_84 = tpu.memref_slice %arg2[%squeeze3A_75, %dma_start3A_83] : memref<100000x64xf32, #tpu.memory_space<hbm>> -> memref<1x64xf32, #tpu.memory_space<hbm>>
      tpu.enqueue_dma source(%dma_start3A_84 : memref<1x64xf32, #tpu.memory_space<hbm>>) target(%dma_start3A_82 : memref<1x64xf32, #tpu.memory_space<hbm>>) target_semaphore(%arg14 : memref<!tpu.dma_semaphore, #tpu.memory_space<semaphore_mem>>)
      %slice3A_85 = vector.extract_strided_slice %get3A_54 {offsets = [3], sizes = [1], strides = [1]} : vector<16xi32> to vector<1xi32>
      %squeeze3A_86 = vector.extract %slice3A_85[0] : i32 from vector<1xi32>
      %mul3A_87 = arith.constant 16 : i32
      %mul3A_88 = arith.muli %scan3A_49, %mul3A_87 : i32
      %add3A_89 = arith.addi %mul3A_2, %mul3A_88 : i32
      %add3A_90 = arith.constant 3 : i32
      %add3A_91 = arith.addi %add3A_89, %add3A_90 : i32
      %dma_start3A_92 = arith.constant 0 : i32
      %dma_start3A_93 = tpu.memref_slice %arg8[%add3A_91, %dma_start3A_92] : memref<16384x64xf32, #tpu.memory_space<hbm>> -> memref<1x64xf32, #tpu.memory_space<hbm>>
      %dma_start3A_94 = arith.constant 0 : i32
      %dma_start3A_95 = tpu.memref_slice %arg2[%squeeze3A_86, %dma_start3A_94] : memref<100000x64xf32, #tpu.memory_space<hbm>> -> memref<1x64xf32, #tpu.memory_space<hbm>>
      tpu.enqueue_dma source(%dma_start3A_95 : memref<1x64xf32, #tpu.memory_space<hbm>>) target(%dma_start3A_93 : memref<1x64xf32, #tpu.memory_space<hbm>>) target_semaphore(%arg14 : memref<!tpu.dma_semaphore, #tpu.memory_space<semaphore_mem>>)
      %slice3A_96 = vector.extract_strided_slice %get3A_54 {offsets = [4], sizes = [1], strides = [1]} : vector<16xi32> to vector<1xi32>
      %squeeze3A_97 = vector.extract %slice3A_96[0] : i32 from vector<1xi32>
      %mul3A_98 = arith.constant 16 : i32
      %mul3A_99 = arith.muli %scan3A_49, %mul3A_98 : i32
      %add3A_100 = arith.addi %mul3A_2, %mul3A_99 : i32
      %add3A_101 = arith.constant 4 : i32
      %add3A_102 = arith.addi %add3A_100, %add3A_101 : i32
      %dma_start3A_103 = arith.constant 0 : i32
      %dma_start3A_104 = tpu.memref_slice %arg8[%add3A_102, %dma_start3A_103] : memref<16384x64xf32, #tpu.memory_space<hbm>> -> memref<1x64xf32, #tpu.memory_space<hbm>>
      %dma_start3A_105 = arith.constant 0 : i32
      %dma_start3A_106 = tpu.memref_slice %arg2[%squeeze3A_97, %dma_start3A_105] : memref<100000x64xf32, #tpu.memory_space<hbm>> -> memref<1x64xf32, #tpu.memory_space<hbm>>
      tpu.enqueue_dma source(%dma_start3A_106 : memref<1x64xf32, #tpu.memory_space<hbm>>) target(%dma_start3A_104 : memref<1x64xf32, #tpu.memory_space<hbm>>) target_semaphore(%arg14 : memref<!tpu.dma_semaphore, #tpu.memory_space<semaphore_mem>>)
      %slice3A_107 = vector.extract_strided_slice %get3A_54 {offsets = [5], sizes = [1], strides = [1]} : vector<16xi32> to vector<1xi32>
      %squeeze3A_108 = vector.extract %slice3A_107[0] : i32 from vector<1xi32>
      %mul3A_109 = arith.constant 16 : i32
      %mul3A_110 = arith.muli %scan3A_49, %mul3A_109 : i32
      %add3A_111 = arith.addi %mul3A_2, %mul3A_110 : i32
      %add3A_112 = arith.constant 5 : i32
      %add3A_113 = arith.addi %add3A_111, %add3A_112 : i32
      %dma_start3A_114 = arith.constant 0 : i32
      %dma_start3A_115 = tpu.memref_slice %arg8[%add3A_113, %dma_start3A_114] : memref<16384x64xf32, #tpu.memory_space<hbm>> -> memref<1x64xf32, #tpu.memory_space<hbm>>
      %dma_start3A_116 = arith.constant 0 : i32
      %dma_start3A_117 = tpu.memref_slice %arg2[%squeeze3A_108, %dma_start3A_116] : memref<100000x64xf32, #tpu.memory_space<hbm>> -> memref<1x64xf32, #tpu.memory_space<hbm>>
      tpu.enqueue_dma source(%dma_start3A_117 : memref<1x64xf32, #tpu.memory_space<hbm>>) target(%dma_start3A_115 : memref<1x64xf32, #tpu.memory_space<hbm>>) target_semaphore(%arg14 : memref<!tpu.dma_semaphore, #tpu.memory_space<semaphore_mem>>)
      %slice3A_118 = vector.extract_strided_slice %get3A_54 {offsets = [6], sizes = [1], strides = [1]} : vector<16xi32> to vector<1xi32>
      %squeeze3A_119 = vector.extract %slice3A_118[0] : i32 from vector<1xi32>
      %mul3A_120 = arith.constant 16 : i32
      %mul3A_121 = arith.muli %scan3A_49, %mul3A_120 : i32
      %add3A_122 = arith.addi %mul3A_2, %mul3A_121 : i32
      %add3A_123 = arith.constant 6 : i32
      %add3A_124 = arith.addi %add3A_122, %add3A_123 : i32
      %dma_start3A_125 = arith.constant 0 : i32
      %dma_start3A_126 = tpu.memref_slice %arg8[%add3A_124, %dma_start3A_125] : memref<16384x64xf32, #tpu.memory_space<hbm>> -> memref<1x64xf32, #tpu.memory_space<hbm>>
      %dma_start3A_127 = arith.constant 0 : i32
      %dma_start3A_128 = tpu.memref_slice %arg2[%squeeze3A_119, %dma_start3A_127] : memref<100000x64xf32, #tpu.memory_space<hbm>> -> memref<1x64xf32, #tpu.memory_space<hbm>>
      tpu.enqueue_dma source(%dma_start3A_128 : memref<1x64xf32, #tpu.memory_space<hbm>>) target(%dma_start3A_126 : memref<1x64xf32, #tpu.memory_space<hbm>>) target_semaphore(%arg14 : memref<!tpu.dma_semaphore, #tpu.memory_space<semaphore_mem>>)
      %slice3A_129 = vector.extract_strided_slice %get3A_54 {offsets = [7], sizes = [1], strides = [1]} : vector<16xi32> to vector<1xi32>
      %squeeze3A_130 = vector.extract %slice3A_129[0] : i32 from vector<1xi32>
      %mul3A_131 = arith.constant 16 : i32
      %mul3A_132 = arith.muli %scan3A_49, %mul3A_131 : i32
      %add3A_133 = arith.addi %mul3A_2, %mul3A_132 : i32
      %add3A_134 = arith.constant 7 : i32
      %add3A_135 = arith.addi %add3A_133, %add3A_134 : i32
      %dma_start3A_136 = arith.constant 0 : i32
      %dma_start3A_137 = tpu.memref_slice %arg8[%add3A_135, %dma_start3A_136] : memref<16384x64xf32, #tpu.memory_space<hbm>> -> memref<1x64xf32, #tpu.memory_space<hbm>>
      %dma_start3A_138 = arith.constant 0 : i32
      %dma_start3A_139 = tpu.memref_slice %arg2[%squeeze3A_130, %dma_start3A_138] : memref<100000x64xf32, #tpu.memory_space<hbm>> -> memref<1x64xf32, #tpu.memory_space<hbm>>
      tpu.enqueue_dma source(%dma_start3A_139 : memref<1x64xf32, #tpu.memory_space<hbm>>) target(%dma_start3A_137 : memref<1x64xf32, #tpu.memory_space<hbm>>) target_semaphore(%arg14 : memref<!tpu.dma_semaphore, #tpu.memory_space<semaphore_mem>>)
      %slice3A_140 = vector.extract_strided_slice %get3A_54 {offsets = [8], sizes = [1], strides = [1]} : vector<16xi32> to vector<1xi32>
      %squeeze3A_141 = vector.extract %slice3A_140[0] : i32 from vector<1xi32>
      %mul3A_142 = arith.constant 16 : i32
      %mul3A_143 = arith.muli %scan3A_49, %mul3A_142 : i32
      %add3A_144 = arith.addi %mul3A_2, %mul3A_143 : i32
      %add3A_145 = arith.constant 8 : i32
      %add3A_146 = arith.addi %add3A_144, %add3A_145 : i32
      %dma_start3A_147 = arith.constant 0 : i32
      %dma_start3A_148 = tpu.memref_slice %arg8[%add3A_146, %dma_start3A_147] : memref<16384x64xf32, #tpu.memory_space<hbm>> -> memref<1x64xf32, #tpu.memory_space<hbm>>
      %dma_start3A_149 = arith.constant 0 : i32
      %dma_start3A_150 = tpu.memref_slice %arg2[%squeeze3A_141, %dma_start3A_149] : memref<100000x64xf32, #tpu.memory_space<hbm>> -> memref<1x64xf32, #tpu.memory_space<hbm>>
      tpu.enqueue_dma source(%dma_start3A_150 : memref<1x64xf32, #tpu.memory_space<hbm>>) target(%dma_start3A_148 : memref<1x64xf32, #tpu.memory_space<hbm>>) target_semaphore(%arg14 : memref<!tpu.dma_semaphore, #tpu.memory_space<semaphore_mem>>)
      %slice3A_151 = vector.extract_strided_slice %get3A_54 {offsets = [9], sizes = [1], strides = [1]} : vector<16xi32> to vector<1xi32>
      %squeeze3A_152 = vector.extract %slice3A_151[0] : i32 from vector<1xi32>
      %mul3A_153 = arith.constant 16 : i32
      %mul3A_154 = arith.muli %scan3A_49, %mul3A_153 : i32
      %add3A_155 = arith.addi %mul3A_2, %mul3A_154 : i32
      %add3A_156 = arith.constant 9 : i32
      %add3A_157 = arith.addi %add3A_155, %add3A_156 : i32
      %dma_start3A_158 = arith.constant 0 : i32
      %dma_start3A_159 = tpu.memref_slice %arg8[%add3A_157, %dma_start3A_158] : memref<16384x64xf32, #tpu.memory_space<hbm>> -> memref<1x64xf32, #tpu.memory_space<hbm>>
      %dma_start3A_160 = arith.constant 0 : i32
      %dma_start3A_161 = tpu.memref_slice %arg2[%squeeze3A_152, %dma_start3A_160] : memref<100000x64xf32, #tpu.memory_space<hbm>> -> memref<1x64xf32, #tpu.memory_space<hbm>>
      tpu.enqueue_dma source(%dma_start3A_161 : memref<1x64xf32, #tpu.memory_space<hbm>>) target(%dma_start3A_159 : memref<1x64xf32, #tpu.memory_space<hbm>>) target_semaphore(%arg14 : memref<!tpu.dma_semaphore, #tpu.memory_space<semaphore_mem>>)
      %slice3A_162 = vector.extract_strided_slice %get3A_54 {offsets = [10], sizes = [1], strides = [1]} : vector<16xi32> to vector<1xi32>
      %squeeze3A_163 = vector.extract %slice3A_162[0] : i32 from vector<1xi32>
      %mul3A_164 = arith.constant 16 : i32
      %mul3A_165 = arith.muli %scan3A_49, %mul3A_164 : i32
      %add3A_166 = arith.addi %mul3A_2, %mul3A_165 : i32
      %add3A_167 = arith.constant 10 : i32
      %add3A_168 = arith.addi %add3A_166, %add3A_167 : i32
      %dma_start3A_169 = arith.constant 0 : i32
      %dma_start3A_170 = tpu.memref_slice %arg8[%add3A_168, %dma_start3A_169] : memref<16384x64xf32, #tpu.memory_space<hbm>> -> memref<1x64xf32, #tpu.memory_space<hbm>>
      %dma_start3A_171 = arith.constant 0 : i32
      %dma_start3A_172 = tpu.memref_slice %arg2[%squeeze3A_163, %dma_start3A_171] : memref<100000x64xf32, #tpu.memory_space<hbm>> -> memref<1x64xf32, #tpu.memory_space<hbm>>
      tpu.enqueue_dma source(%dma_start3A_172 : memref<1x64xf32, #tpu.memory_space<hbm>>) target(%dma_start3A_170 : memref<1x64xf32, #tpu.memory_space<hbm>>) target_semaphore(%arg14 : memref<!tpu.dma_semaphore, #tpu.memory_space<semaphore_mem>>)
      %slice3A_173 = vector.extract_strided_slice %get3A_54 {offsets = [11], sizes = [1], strides = [1]} : vector<16xi32> to vector<1xi32>
      %squeeze3A_174 = vector.extract %slice3A_173[0] : i32 from vector<1xi32>
      %mul3A_175 = arith.constant 16 : i32
      %mul3A_176 = arith.muli %scan3A_49, %mul3A_175 : i32
      %add3A_177 = arith.addi %mul3A_2, %mul3A_176 : i32
      %add3A_178 = arith.constant 11 : i32
      %add3A_179 = arith.addi %add3A_177, %add3A_178 : i32
      %dma_start3A_180 = arith.constant 0 : i32
      %dma_start3A_181 = tpu.memref_slice %arg8[%add3A_179, %dma_start3A_180] : memref<16384x64xf32, #tpu.memory_space<hbm>> -> memref<1x64xf32, #tpu.memory_space<hbm>>
      %dma_start3A_182 = arith.constant 0 : i32
      %dma_start3A_183 = tpu.memref_slice %arg2[%squeeze3A_174, %dma_start3A_182] : memref<100000x64xf32, #tpu.memory_space<hbm>> -> memref<1x64xf32, #tpu.memory_space<hbm>>
      tpu.enqueue_dma source(%dma_start3A_183 : memref<1x64xf32, #tpu.memory_space<hbm>>) target(%dma_start3A_181 : memref<1x64xf32, #tpu.memory_space<hbm>>) target_semaphore(%arg14 : memref<!tpu.dma_semaphore, #tpu.memory_space<semaphore_mem>>)
      %slice3A_184 = vector.extract_strided_slice %get3A_54 {offsets = [12], sizes = [1], strides = [1]} : vector<16xi32> to vector<1xi32>
      %squeeze3A_185 = vector.extract %slice3A_184[0] : i32 from vector<1xi32>
      %mul3A_186 = arith.constant 16 : i32
      %mul3A_187 = arith.muli %scan3A_49, %mul3A_186 : i32
      %add3A_188 = arith.addi %mul3A_2, %mul3A_187 : i32
      %add3A_189 = arith.constant 12 : i32
      %add3A_190 = arith.addi %add3A_188, %add3A_189 : i32
      %dma_start3A_191 = arith.constant 0 : i32
      %dma_start3A_192 = tpu.memref_slice %arg8[%add3A_190, %dma_start3A_191] : memref<16384x64xf32, #tpu.memory_space<hbm>> -> memref<1x64xf32, #tpu.memory_space<hbm>>
      %dma_start3A_193 = arith.constant 0 : i32
      %dma_start3A_194 = tpu.memref_slice %arg2[%squeeze3A_185, %dma_start3A_193] : memref<100000x64xf32, #tpu.memory_space<hbm>> -> memref<1x64xf32, #tpu.memory_space<hbm>>
      tpu.enqueue_dma source(%dma_start3A_194 : memref<1x64xf32, #tpu.memory_space<hbm>>) target(%dma_start3A_192 : memref<1x64xf32, #tpu.memory_space<hbm>>) target_semaphore(%arg14 : memref<!tpu.dma_semaphore, #tpu.memory_space<semaphore_mem>>)
      %slice3A_195 = vector.extract_strided_slice %get3A_54 {offsets = [13], sizes = [1], strides = [1]} : vector<16xi32> to vector<1xi32>
      %squeeze3A_196 = vector.extract %slice3A_195[0] : i32 from vector<1xi32>
      %mul3A_197 = arith.constant 16 : i32
      %mul3A_198 = arith.muli %scan3A_49, %mul3A_197 : i32
      %add3A_199 = arith.addi %mul3A_2, %mul3A_198 : i32
      %add3A_200 = arith.constant 13 : i32
      %add3A_201 = arith.addi %add3A_199, %add3A_200 : i32
      %dma_start3A_202 = arith.constant 0 : i32
      %dma_start3A_203 = tpu.memref_slice %arg8[%add3A_201, %dma_start3A_202] : memref<16384x64xf32, #tpu.memory_space<hbm>> -> memref<1x64xf32, #tpu.memory_space<hbm>>
      %dma_start3A_204 = arith.constant 0 : i32
      %dma_start3A_205 = tpu.memref_slice %arg2[%squeeze3A_196, %dma_start3A_204] : memref<100000x64xf32, #tpu.memory_space<hbm>> -> memref<1x64xf32, #tpu.memory_space<hbm>>
      tpu.enqueue_dma source(%dma_start3A_205 : memref<1x64xf32, #tpu.memory_space<hbm>>) target(%dma_start3A_203 : memref<1x64xf32, #tpu.memory_space<hbm>>) target_semaphore(%arg14 : memref<!tpu.dma_semaphore, #tpu.memory_space<semaphore_mem>>)
      %slice3A_206 = vector.extract_strided_slice %get3A_54 {offsets = [14], sizes = [1], strides = [1]} : vector<16xi32> to vector<1xi32>
      %squeeze3A_207 = vector.extract %slice3A_206[0] : i32 from vector<1xi32>
      %mul3A_208 = arith.constant 16 : i32
      %mul3A_209 = arith.muli %scan3A_49, %mul3A_208 : i32
      %add3A_210 = arith.addi %mul3A_2, %mul3A_209 : i32
      %add3A_211 = arith.constant 14 : i32
      %add3A_212 = arith.addi %add3A_210, %add3A_211 : i32
      %dma_start3A_213 = arith.constant 0 : i32
      %dma_start3A_214 = tpu.memref_slice %arg8[%add3A_212, %dma_start3A_213] : memref<16384x64xf32, #tpu.memory_space<hbm>> -> memref<1x64xf32, #tpu.memory_space<hbm>>
      %dma_start3A_215 = arith.constant 0 : i32
      %dma_start3A_216 = tpu.memref_slice %arg2[%squeeze3A_207, %dma_start3A_215] : memref<100000x64xf32, #tpu.memory_space<hbm>> -> memref<1x64xf32, #tpu.memory_space<hbm>>
      tpu.enqueue_dma source(%dma_start3A_216 : memref<1x64xf32, #tpu.memory_space<hbm>>) target(%dma_start3A_214 : memref<1x64xf32, #tpu.memory_space<hbm>>) target_semaphore(%arg14 : memref<!tpu.dma_semaphore, #tpu.memory_space<semaphore_mem>>)
      %slice3A_217 = vector.extract_strided_slice %get3A_54 {offsets = [15], sizes = [1], strides = [1]} : vector<16xi32> to vector<1xi32>
      %squeeze3A_218 = vector.extract %slice3A_217[0] : i32 from vector<1xi32>
      %mul3A_219 = arith.constant 16 : i32
      %mul3A_220 = arith.muli %scan3A_49, %mul3A_219 : i32
      %add3A_221 = arith.addi %mul3A_2, %mul3A_220 : i32
      %add3A_222 = arith.constant 15 : i32
      %add3A_223 = arith.addi %add3A_221, %add3A_222 : i32
      %dma_start3A_224 = arith.constant 0 : i32
      %dma_start3A_225 = tpu.memref_slice %arg8[%add3A_223, %dma_start3A_224] : memref<16384x64xf32, #tpu.memory_space<hbm>> -> memref<1x64xf32, #tpu.memory_space<hbm>>
      %dma_start3A_226 = arith.constant 0 : i32
      %dma_start3A_227 = tpu.memref_slice %arg2[%squeeze3A_218, %dma_start3A_226] : memref<100000x64xf32, #tpu.memory_space<hbm>> -> memref<1x64xf32, #tpu.memory_space<hbm>>
      tpu.enqueue_dma source(%dma_start3A_227 : memref<1x64xf32, #tpu.memory_space<hbm>>) target(%dma_start3A_225 : memref<1x64xf32, #tpu.memory_space<hbm>>) target_semaphore(%arg14 : memref<!tpu.dma_semaphore, #tpu.memory_space<semaphore_mem>>)
      %scan3A_228 = arith.constant 0 : i32
      scf.yield %scan3A_228 : i32
    }
    %scan3A_8 = arith.constant 32 : i32
    %scan3A_9 = arith.constant 0 : i32
    %scan3A_10 = arith.constant 0 : i32
    %scan3A_11 = arith.constant 32 : i32
    %scan3A_12 = arith.addi %scan3A_10, %scan3A_11 : i32
    %scan3A_13 = arith.constant 1 : i32
    %scan3A_14 = scf.for %scan3A_49 = %scan3A_10 to %scan3A_12 step %scan3A_13 iter_args(%scan3A_50 = %scan3A_9) -> (i32)  : i32 {
      %mul3A_51 = arith.constant 16 : i32
      %mul3A_52 = arith.muli %scan3A_49, %mul3A_51 : i32
      %get3A = arith.index_cast %mul3A_52 : i32 to index
      %get3A_53 = tpu.vector_load %arg12[%get3A] {strides = array<i32>} : memref<512xi32, #tpu.memory_space<vmem>>, vector<16xi32>,
      %get3A_54 = vector.shape_cast %get3A_53 : vector<16xi32> to vector<16xi32>
      %slice3A = vector.extract_strided_slice %get3A_54 {offsets = [0], sizes = [1], strides = [1]} : vector<16xi32> to vector<1xi32>
      %squeeze3A = vector.extract %slice3A[0] : i32 from vector<1xi32>
      %mul3A_55 = arith.constant 16 : i32
      %mul3A_56 = arith.muli %scan3A_49, %mul3A_55 : i32
      %add3A_57 = arith.addi %mul3A_2, %mul3A_56 : i32
      %add3A_58 = arith.constant 0 : i32
      %add3A_59 = arith.addi %add3A_57, %add3A_58 : i32
      %dma_start3A = arith.constant 0 : i32
      %dma_start3A_60 = tpu.memref_slice %arg9[%add3A_59, %dma_start3A] : memref<16384x64xf32, #tpu.memory_space<hbm>> -> memref<1x64xf32, #tpu.memory_space<hbm>>
      %dma_start3A_61 = arith.constant 0 : i32
      %dma_start3A_62 = tpu.memref_slice %arg3[%squeeze3A, %dma_start3A_61] : memref<100000x64xf32, #tpu.memory_space<hbm>> -> memref<1x64xf32, #tpu.memory_space<hbm>>
      tpu.enqueue_dma source(%dma_start3A_62 : memref<1x64xf32, #tpu.memory_space<hbm>>) target(%dma_start3A_60 : memref<1x64xf32, #tpu.memory_space<hbm>>) target_semaphore(%arg15 : memref<!tpu.dma_semaphore, #tpu.memory_space<semaphore_mem>>)
      %slice3A_63 = vector.extract_strided_slice %get3A_54 {offsets = [1], sizes = [1], strides = [1]} : vector<16xi32> to vector<1xi32>
      %squeeze3A_64 = vector.extract %slice3A_63[0] : i32 from vector<1xi32>
      %mul3A_65 = arith.constant 16 : i32
      %mul3A_66 = arith.muli %scan3A_49, %mul3A_65 : i32
      %add3A_67 = arith.addi %mul3A_2, %mul3A_66 : i32
      %add3A_68 = arith.constant 1 : i32
      %add3A_69 = arith.addi %add3A_67, %add3A_68 : i32
      %dma_start3A_70 = arith.constant 0 : i32
      %dma_start3A_71 = tpu.memref_slice %arg9[%add3A_69, %dma_start3A_70] : memref<16384x64xf32, #tpu.memory_space<hbm>> -> memref<1x64xf32, #tpu.memory_space<hbm>>
      %dma_start3A_72 = arith.constant 0 : i32
      %dma_start3A_73 = tpu.memref_slice %arg3[%squeeze3A_64, %dma_start3A_72] : memref<100000x64xf32, #tpu.memory_space<hbm>> -> memref<1x64xf32, #tpu.memory_space<hbm>>
      tpu.enqueue_dma source(%dma_start3A_73 : memref<1x64xf32, #tpu.memory_space<hbm>>) target(%dma_start3A_71 : memref<1x64xf32, #tpu.memory_space<hbm>>) target_semaphore(%arg15 : memref<!tpu.dma_semaphore, #tpu.memory_space<semaphore_mem>>)
      %slice3A_74 = vector.extract_strided_slice %get3A_54 {offsets = [2], sizes = [1], strides = [1]} : vector<16xi32> to vector<1xi32>
      %squeeze3A_75 = vector.extract %slice3A_74[0] : i32 from vector<1xi32>
      %mul3A_76 = arith.constant 16 : i32
      %mul3A_77 = arith.muli %scan3A_49, %mul3A_76 : i32
      %add3A_78 = arith.addi %mul3A_2, %mul3A_77 : i32
      %add3A_79 = arith.constant 2 : i32
      %add3A_80 = arith.addi %add3A_78, %add3A_79 : i32
      %dma_start3A_81 = arith.constant 0 : i32
      %dma_start3A_82 = tpu.memref_slice %arg9[%add3A_80, %dma_start3A_81] : memref<16384x64xf32, #tpu.memory_space<hbm>> -> memref<1x64xf32, #tpu.memory_space<hbm>>
      %dma_start3A_83 = arith.constant 0 : i32
      %dma_start3A_84 = tpu.memref_slice %arg3[%squeeze3A_75, %dma_start3A_83] : memref<100000x64xf32, #tpu.memory_space<hbm>> -> memref<1x64xf32, #tpu.memory_space<hbm>>
      tpu.enqueue_dma source(%dma_start3A_84 : memref<1x64xf32, #tpu.memory_space<hbm>>) target(%dma_start3A_82 : memref<1x64xf32, #tpu.memory_space<hbm>>) target_semaphore(%arg15 : memref<!tpu.dma_semaphore, #tpu.memory_space<semaphore_mem>>)
      %slice3A_85 = vector.extract_strided_slice %get3A_54 {offsets = [3], sizes = [1], strides = [1]} : vector<16xi32> to vector<1xi32>
      %squeeze3A_86 = vector.extract %slice3A_85[0] : i32 from vector<1xi32>
      %mul3A_87 = arith.constant 16 : i32
      %mul3A_88 = arith.muli %scan3A_49, %mul3A_87 : i32
      %add3A_89 = arith.addi %mul3A_2, %mul3A_88 : i32
      %add3A_90 = arith.constant 3 : i32
      %add3A_91 = arith.addi %add3A_89, %add3A_90 : i32
      %dma_start3A_92 = arith.constant 0 : i32
      %dma_start3A_93 = tpu.memref_slice %arg9[%add3A_91, %dma_start3A_92] : memref<16384x64xf32, #tpu.memory_space<hbm>> -> memref<1x64xf32, #tpu.memory_space<hbm>>
      %dma_start3A_94 = arith.constant 0 : i32
      %dma_start3A_95 = tpu.memref_slice %arg3[%squeeze3A_86, %dma_start3A_94] : memref<100000x64xf32, #tpu.memory_space<hbm>> -> memref<1x64xf32, #tpu.memory_space<hbm>>
      tpu.enqueue_dma source(%dma_start3A_95 : memref<1x64xf32, #tpu.memory_space<hbm>>) target(%dma_start3A_93 : memref<1x64xf32, #tpu.memory_space<hbm>>) target_semaphore(%arg15 : memref<!tpu.dma_semaphore, #tpu.memory_space<semaphore_mem>>)
      %slice3A_96 = vector.extract_strided_slice %get3A_54 {offsets = [4], sizes = [1], strides = [1]} : vector<16xi32> to vector<1xi32>
      %squeeze3A_97 = vector.extract %slice3A_96[0] : i32 from vector<1xi32>
      %mul3A_98 = arith.constant 16 : i32
      %mul3A_99 = arith.muli %scan3A_49, %mul3A_98 : i32
      %add3A_100 = arith.addi %mul3A_2, %mul3A_99 : i32
      %add3A_101 = arith.constant 4 : i32
      %add3A_102 = arith.addi %add3A_100, %add3A_101 : i32
      %dma_start3A_103 = arith.constant 0 : i32
      %dma_start3A_104 = tpu.memref_slice %arg9[%add3A_102, %dma_start3A_103] : memref<16384x64xf32, #tpu.memory_space<hbm>> -> memref<1x64xf32, #tpu.memory_space<hbm>>
      %dma_start3A_105 = arith.constant 0 : i32
      %dma_start3A_106 = tpu.memref_slice %arg3[%squeeze3A_97, %dma_start3A_105] : memref<100000x64xf32, #tpu.memory_space<hbm>> -> memref<1x64xf32, #tpu.memory_space<hbm>>
      tpu.enqueue_dma source(%dma_start3A_106 : memref<1x64xf32, #tpu.memory_space<hbm>>) target(%dma_start3A_104 : memref<1x64xf32, #tpu.memory_space<hbm>>) target_semaphore(%arg15 : memref<!tpu.dma_semaphore, #tpu.memory_space<semaphore_mem>>)
      %slice3A_107 = vector.extract_strided_slice %get3A_54 {offsets = [5], sizes = [1], strides = [1]} : vector<16xi32> to vector<1xi32>
      %squeeze3A_108 = vector.extract %slice3A_107[0] : i32 from vector<1xi32>
      %mul3A_109 = arith.constant 16 : i32
      %mul3A_110 = arith.muli %scan3A_49, %mul3A_109 : i32
      %add3A_111 = arith.addi %mul3A_2, %mul3A_110 : i32
      %add3A_112 = arith.constant 5 : i32
      %add3A_113 = arith.addi %add3A_111, %add3A_112 : i32
      %dma_start3A_114 = arith.constant 0 : i32
      %dma_start3A_115 = tpu.memref_slice %arg9[%add3A_113, %dma_start3A_114] : memref<16384x64xf32, #tpu.memory_space<hbm>> -> memref<1x64xf32, #tpu.memory_space<hbm>>
      %dma_start3A_116 = arith.constant 0 : i32
      %dma_start3A_117 = tpu.memref_slice %arg3[%squeeze3A_108, %dma_start3A_116] : memref<100000x64xf32, #tpu.memory_space<hbm>> -> memref<1x64xf32, #tpu.memory_space<hbm>>
      tpu.enqueue_dma source(%dma_start3A_117 : memref<1x64xf32, #tpu.memory_space<hbm>>) target(%dma_start3A_115 : memref<1x64xf32, #tpu.memory_space<hbm>>) target_semaphore(%arg15 : memref<!tpu.dma_semaphore, #tpu.memory_space<semaphore_mem>>)
      %slice3A_118 = vector.extract_strided_slice %get3A_54 {offsets = [6], sizes = [1], strides = [1]} : vector<16xi32> to vector<1xi32>
      %squeeze3A_119 = vector.extract %slice3A_118[0] : i32 from vector<1xi32>
      %mul3A_120 = arith.constant 16 : i32
      %mul3A_121 = arith.muli %scan3A_49, %mul3A_120 : i32
      %add3A_122 = arith.addi %mul3A_2, %mul3A_121 : i32
      %add3A_123 = arith.constant 6 : i32
      %add3A_124 = arith.addi %add3A_122, %add3A_123 : i32
      %dma_start3A_125 = arith.constant 0 : i32
      %dma_start3A_126 = tpu.memref_slice %arg9[%add3A_124, %dma_start3A_125] : memref<16384x64xf32, #tpu.memory_space<hbm>> -> memref<1x64xf32, #tpu.memory_space<hbm>>
      %dma_start3A_127 = arith.constant 0 : i32
      %dma_start3A_128 = tpu.memref_slice %arg3[%squeeze3A_119, %dma_start3A_127] : memref<100000x64xf32, #tpu.memory_space<hbm>> -> memref<1x64xf32, #tpu.memory_space<hbm>>
      tpu.enqueue_dma source(%dma_start3A_128 : memref<1x64xf32, #tpu.memory_space<hbm>>) target(%dma_start3A_126 : memref<1x64xf32, #tpu.memory_space<hbm>>) target_semaphore(%arg15 : memref<!tpu.dma_semaphore, #tpu.memory_space<semaphore_mem>>)
      %slice3A_129 = vector.extract_strided_slice %get3A_54 {offsets = [7], sizes = [1], strides = [1]} : vector<16xi32> to vector<1xi32>
      %squeeze3A_130 = vector.extract %slice3A_129[0] : i32 from vector<1xi32>
      %mul3A_131 = arith.constant 16 : i32
      %mul3A_132 = arith.muli %scan3A_49, %mul3A_131 : i32
      %add3A_133 = arith.addi %mul3A_2, %mul3A_132 : i32
      %add3A_134 = arith.constant 7 : i32
      %add3A_135 = arith.addi %add3A_133, %add3A_134 : i32
      %dma_start3A_136 = arith.constant 0 : i32
      %dma_start3A_137 = tpu.memref_slice %arg9[%add3A_135, %dma_start3A_136] : memref<16384x64xf32, #tpu.memory_space<hbm>> -> memref<1x64xf32, #tpu.memory_space<hbm>>
      %dma_start3A_138 = arith.constant 0 : i32
      %dma_start3A_139 = tpu.memref_slice %arg3[%squeeze3A_130, %dma_start3A_138] : memref<100000x64xf32, #tpu.memory_space<hbm>> -> memref<1x64xf32, #tpu.memory_space<hbm>>
      tpu.enqueue_dma source(%dma_start3A_139 : memref<1x64xf32, #tpu.memory_space<hbm>>) target(%dma_start3A_137 : memref<1x64xf32, #tpu.memory_space<hbm>>) target_semaphore(%arg15 : memref<!tpu.dma_semaphore, #tpu.memory_space<semaphore_mem>>)
      %slice3A_140 = vector.extract_strided_slice %get3A_54 {offsets = [8], sizes = [1], strides = [1]} : vector<16xi32> to vector<1xi32>
      %squeeze3A_141 = vector.extract %slice3A_140[0] : i32 from vector<1xi32>
      %mul3A_142 = arith.constant 16 : i32
      %mul3A_143 = arith.muli %scan3A_49, %mul3A_142 : i32
      %add3A_144 = arith.addi %mul3A_2, %mul3A_143 : i32
      %add3A_145 = arith.constant 8 : i32
      %add3A_146 = arith.addi %add3A_144, %add3A_145 : i32
      %dma_start3A_147 = arith.constant 0 : i32
      %dma_start3A_148 = tpu.memref_slice %arg9[%add3A_146, %dma_start3A_147] : memref<16384x64xf32, #tpu.memory_space<hbm>> -> memref<1x64xf32, #tpu.memory_space<hbm>>
      %dma_start3A_149 = arith.constant 0 : i32
      %dma_start3A_150 = tpu.memref_slice %arg3[%squeeze3A_141, %dma_start3A_149] : memref<100000x64xf32, #tpu.memory_space<hbm>> -> memref<1x64xf32, #tpu.memory_space<hbm>>
      tpu.enqueue_dma source(%dma_start3A_150 : memref<1x64xf32, #tpu.memory_space<hbm>>) target(%dma_start3A_148 : memref<1x64xf32, #tpu.memory_space<hbm>>) target_semaphore(%arg15 : memref<!tpu.dma_semaphore, #tpu.memory_space<semaphore_mem>>)
      %slice3A_151 = vector.extract_strided_slice %get3A_54 {offsets = [9], sizes = [1], strides = [1]} : vector<16xi32> to vector<1xi32>
      %squeeze3A_152 = vector.extract %slice3A_151[0] : i32 from vector<1xi32>
      %mul3A_153 = arith.constant 16 : i32
      %mul3A_154 = arith.muli %scan3A_49, %mul3A_153 : i32
      %add3A_155 = arith.addi %mul3A_2, %mul3A_154 : i32
      %add3A_156 = arith.constant 9 : i32
      %add3A_157 = arith.addi %add3A_155, %add3A_156 : i32
      %dma_start3A_158 = arith.constant 0 : i32
      %dma_start3A_159 = tpu.memref_slice %arg9[%add3A_157, %dma_start3A_158] : memref<16384x64xf32, #tpu.memory_space<hbm>> -> memref<1x64xf32, #tpu.memory_space<hbm>>
      %dma_start3A_160 = arith.constant 0 : i32
      %dma_start3A_161 = tpu.memref_slice %arg3[%squeeze3A_152, %dma_start3A_160] : memref<100000x64xf32, #tpu.memory_space<hbm>> -> memref<1x64xf32, #tpu.memory_space<hbm>>
      tpu.enqueue_dma source(%dma_start3A_161 : memref<1x64xf32, #tpu.memory_space<hbm>>) target(%dma_start3A_159 : memref<1x64xf32, #tpu.memory_space<hbm>>) target_semaphore(%arg15 : memref<!tpu.dma_semaphore, #tpu.memory_space<semaphore_mem>>)
      %slice3A_162 = vector.extract_strided_slice %get3A_54 {offsets = [10], sizes = [1], strides = [1]} : vector<16xi32> to vector<1xi32>
      %squeeze3A_163 = vector.extract %slice3A_162[0] : i32 from vector<1xi32>
      %mul3A_164 = arith.constant 16 : i32
      %mul3A_165 = arith.muli %scan3A_49, %mul3A_164 : i32
      %add3A_166 = arith.addi %mul3A_2, %mul3A_165 : i32
      %add3A_167 = arith.constant 10 : i32
      %add3A_168 = arith.addi %add3A_166, %add3A_167 : i32
      %dma_start3A_169 = arith.constant 0 : i32
      %dma_start3A_170 = tpu.memref_slice %arg9[%add3A_168, %dma_start3A_169] : memref<16384x64xf32, #tpu.memory_space<hbm>> -> memref<1x64xf32, #tpu.memory_space<hbm>>
      %dma_start3A_171 = arith.constant 0 : i32
      %dma_start3A_172 = tpu.memref_slice %arg3[%squeeze3A_163, %dma_start3A_171] : memref<100000x64xf32, #tpu.memory_space<hbm>> -> memref<1x64xf32, #tpu.memory_space<hbm>>
      tpu.enqueue_dma source(%dma_start3A_172 : memref<1x64xf32, #tpu.memory_space<hbm>>) target(%dma_start3A_170 : memref<1x64xf32, #tpu.memory_space<hbm>>) target_semaphore(%arg15 : memref<!tpu.dma_semaphore, #tpu.memory_space<semaphore_mem>>)
      %slice3A_173 = vector.extract_strided_slice %get3A_54 {offsets = [11], sizes = [1], strides = [1]} : vector<16xi32> to vector<1xi32>
      %squeeze3A_174 = vector.extract %slice3A_173[0] : i32 from vector<1xi32>
      %mul3A_175 = arith.constant 16 : i32
      %mul3A_176 = arith.muli %scan3A_49, %mul3A_175 : i32
      %add3A_177 = arith.addi %mul3A_2, %mul3A_176 : i32
      %add3A_178 = arith.constant 11 : i32
      %add3A_179 = arith.addi %add3A_177, %add3A_178 : i32
      %dma_start3A_180 = arith.constant 0 : i32
      %dma_start3A_181 = tpu.memref_slice %arg9[%add3A_179, %dma_start3A_180] : memref<16384x64xf32, #tpu.memory_space<hbm>> -> memref<1x64xf32, #tpu.memory_space<hbm>>
      %dma_start3A_182 = arith.constant 0 : i32
      %dma_start3A_183 = tpu.memref_slice %arg3[%squeeze3A_174, %dma_start3A_182] : memref<100000x64xf32, #tpu.memory_space<hbm>> -> memref<1x64xf32, #tpu.memory_space<hbm>>
      tpu.enqueue_dma source(%dma_start3A_183 : memref<1x64xf32, #tpu.memory_space<hbm>>) target(%dma_start3A_181 : memref<1x64xf32, #tpu.memory_space<hbm>>) target_semaphore(%arg15 : memref<!tpu.dma_semaphore, #tpu.memory_space<semaphore_mem>>)
      %slice3A_184 = vector.extract_strided_slice %get3A_54 {offsets = [12], sizes = [1], strides = [1]} : vector<16xi32> to vector<1xi32>
      %squeeze3A_185 = vector.extract %slice3A_184[0] : i32 from vector<1xi32>
      %mul3A_186 = arith.constant 16 : i32
      %mul3A_187 = arith.muli %scan3A_49, %mul3A_186 : i32
      %add3A_188 = arith.addi %mul3A_2, %mul3A_187 : i32
      %add3A_189 = arith.constant 12 : i32
      %add3A_190 = arith.addi %add3A_188, %add3A_189 : i32
      %dma_start3A_191 = arith.constant 0 : i32
      %dma_start3A_192 = tpu.memref_slice %arg9[%add3A_190, %dma_start3A_191] : memref<16384x64xf32, #tpu.memory_space<hbm>> -> memref<1x64xf32, #tpu.memory_space<hbm>>
      %dma_start3A_193 = arith.constant 0 : i32
      %dma_start3A_194 = tpu.memref_slice %arg3[%squeeze3A_185, %dma_start3A_193] : memref<100000x64xf32, #tpu.memory_space<hbm>> -> memref<1x64xf32, #tpu.memory_space<hbm>>
      tpu.enqueue_dma source(%dma_start3A_194 : memref<1x64xf32, #tpu.memory_space<hbm>>) target(%dma_start3A_192 : memref<1x64xf32, #tpu.memory_space<hbm>>) target_semaphore(%arg15 : memref<!tpu.dma_semaphore, #tpu.memory_space<semaphore_mem>>)
      %slice3A_195 = vector.extract_strided_slice %get3A_54 {offsets = [13], sizes = [1], strides = [1]} : vector<16xi32> to vector<1xi32>
      %squeeze3A_196 = vector.extract %slice3A_195[0] : i32 from vector<1xi32>
      %mul3A_197 = arith.constant 16 : i32
      %mul3A_198 = arith.muli %scan3A_49, %mul3A_197 : i32
      %add3A_199 = arith.addi %mul3A_2, %mul3A_198 : i32
      %add3A_200 = arith.constant 13 : i32
      %add3A_201 = arith.addi %add3A_199, %add3A_200 : i32
      %dma_start3A_202 = arith.constant 0 : i32
      %dma_start3A_203 = tpu.memref_slice %arg9[%add3A_201, %dma_start3A_202] : memref<16384x64xf32, #tpu.memory_space<hbm>> -> memref<1x64xf32, #tpu.memory_space<hbm>>
      %dma_start3A_204 = arith.constant 0 : i32
      %dma_start3A_205 = tpu.memref_slice %arg3[%squeeze3A_196, %dma_start3A_204] : memref<100000x64xf32, #tpu.memory_space<hbm>> -> memref<1x64xf32, #tpu.memory_space<hbm>>
      tpu.enqueue_dma source(%dma_start3A_205 : memref<1x64xf32, #tpu.memory_space<hbm>>) target(%dma_start3A_203 : memref<1x64xf32, #tpu.memory_space<hbm>>) target_semaphore(%arg15 : memref<!tpu.dma_semaphore, #tpu.memory_space<semaphore_mem>>)
      %slice3A_206 = vector.extract_strided_slice %get3A_54 {offsets = [14], sizes = [1], strides = [1]} : vector<16xi32> to vector<1xi32>
      %squeeze3A_207 = vector.extract %slice3A_206[0] : i32 from vector<1xi32>
      %mul3A_208 = arith.constant 16 : i32
      %mul3A_209 = arith.muli %scan3A_49, %mul3A_208 : i32
      %add3A_210 = arith.addi %mul3A_2, %mul3A_209 : i32
      %add3A_211 = arith.constant 14 : i32
      %add3A_212 = arith.addi %add3A_210, %add3A_211 : i32
      %dma_start3A_213 = arith.constant 0 : i32
      %dma_start3A_214 = tpu.memref_slice %arg9[%add3A_212, %dma_start3A_213] : memref<16384x64xf32, #tpu.memory_space<hbm>> -> memref<1x64xf32, #tpu.memory_space<hbm>>
      %dma_start3A_215 = arith.constant 0 : i32
      %dma_start3A_216 = tpu.memref_slice %arg3[%squeeze3A_207, %dma_start3A_215] : memref<100000x64xf32, #tpu.memory_space<hbm>> -> memref<1x64xf32, #tpu.memory_space<hbm>>
      tpu.enqueue_dma source(%dma_start3A_216 : memref<1x64xf32, #tpu.memory_space<hbm>>) target(%dma_start3A_214 : memref<1x64xf32, #tpu.memory_space<hbm>>) target_semaphore(%arg15 : memref<!tpu.dma_semaphore, #tpu.memory_space<semaphore_mem>>)
      %slice3A_217 = vector.extract_strided_slice %get3A_54 {offsets = [15], sizes = [1], strides = [1]} : vector<16xi32> to vector<1xi32>
      %squeeze3A_218 = vector.extract %slice3A_217[0] : i32 from vector<1xi32>
      %mul3A_219 = arith.constant 16 : i32
      %mul3A_220 = arith.muli %scan3A_49, %mul3A_219 : i32
      %add3A_221 = arith.addi %mul3A_2, %mul3A_220 : i32
      %add3A_222 = arith.constant 15 : i32
      %add3A_223 = arith.addi %add3A_221, %add3A_222 : i32
      %dma_start3A_224 = arith.constant 0 : i32
      %dma_start3A_225 = tpu.memref_slice %arg9[%add3A_223, %dma_start3A_224] : memref<16384x64xf32, #tpu.memory_space<hbm>> -> memref<1x64xf32, #tpu.memory_space<hbm>>
      %dma_start3A_226 = arith.constant 0 : i32
      %dma_start3A_227 = tpu.memref_slice %arg3[%squeeze3A_218, %dma_start3A_226] : memref<100000x64xf32, #tpu.memory_space<hbm>> -> memref<1x64xf32, #tpu.memory_space<hbm>>
      tpu.enqueue_dma source(%dma_start3A_227 : memref<1x64xf32, #tpu.memory_space<hbm>>) target(%dma_start3A_225 : memref<1x64xf32, #tpu.memory_space<hbm>>) target_semaphore(%arg15 : memref<!tpu.dma_semaphore, #tpu.memory_space<semaphore_mem>>)
      %scan3A_228 = arith.constant 0 : i32
      scf.yield %scan3A_228 : i32
    }
    %scan3A_15 = arith.constant 32 : i32
    %scan3A_16 = arith.constant 0 : i32
    %scan3A_17 = arith.constant 0 : i32
    %scan3A_18 = arith.constant 32 : i32
    %scan3A_19 = arith.addi %scan3A_17, %scan3A_18 : i32
    %scan3A_20 = arith.constant 1 : i32
    %scan3A_21 = scf.for %scan3A_49 = %scan3A_17 to %scan3A_19 step %scan3A_20 iter_args(%scan3A_50 = %scan3A_16) -> (i32)  : i32 {
      %mul3A_51 = arith.constant 16 : i32
      %mul3A_52 = arith.muli %scan3A_49, %mul3A_51 : i32
      %get3A = arith.index_cast %mul3A_52 : i32 to index
      %get3A_53 = tpu.vector_load %arg13[%get3A] {strides = array<i32>} : memref<512xi32, #tpu.memory_space<vmem>>, vector<16xi32>,
      %get3A_54 = vector.shape_cast %get3A_53 : vector<16xi32> to vector<16xi32>
      %slice3A = vector.extract_strided_slice %get3A_54 {offsets = [0], sizes = [1], strides = [1]} : vector<16xi32> to vector<1xi32>
      %squeeze3A = vector.extract %slice3A[0] : i32 from vector<1xi32>
      %mul3A_55 = arith.constant 16 : i32
      %mul3A_56 = arith.muli %scan3A_49, %mul3A_55 : i32
      %add3A_57 = arith.addi %mul3A_2, %mul3A_56 : i32
      %add3A_58 = arith.constant 0 : i32
      %add3A_59 = arith.addi %add3A_57, %add3A_58 : i32
      %dma_start3A = arith.constant 0 : i32
      %dma_start3A_60 = tpu.memref_slice %arg10[%add3A_59, %dma_start3A] : memref<16384x64xf32, #tpu.memory_space<hbm>> -> memref<1x64xf32, #tpu.memory_space<hbm>>
      %dma_start3A_61 = arith.constant 0 : i32
      %dma_start3A_62 = tpu.memref_slice %arg4[%squeeze3A, %dma_start3A_61] : memref<100000x64xf32, #tpu.memory_space<hbm>> -> memref<1x64xf32, #tpu.memory_space<hbm>>
      tpu.enqueue_dma source(%dma_start3A_62 : memref<1x64xf32, #tpu.memory_space<hbm>>) target(%dma_start3A_60 : memref<1x64xf32, #tpu.memory_space<hbm>>) target_semaphore(%arg16 : memref<!tpu.dma_semaphore, #tpu.memory_space<semaphore_mem>>)
      %slice3A_63 = vector.extract_strided_slice %get3A_54 {offsets = [1], sizes = [1], strides = [1]} : vector<16xi32> to vector<1xi32>
      %squeeze3A_64 = vector.extract %slice3A_63[0] : i32 from vector<1xi32>
      %mul3A_65 = arith.constant 16 : i32
      %mul3A_66 = arith.muli %scan3A_49, %mul3A_65 : i32
      %add3A_67 = arith.addi %mul3A_2, %mul3A_66 : i32
      %add3A_68 = arith.constant 1 : i32
      %add3A_69 = arith.addi %add3A_67, %add3A_68 : i32
      %dma_start3A_70 = arith.constant 0 : i32
      %dma_start3A_71 = tpu.memref_slice %arg10[%add3A_69, %dma_start3A_70] : memref<16384x64xf32, #tpu.memory_space<hbm>> -> memref<1x64xf32, #tpu.memory_space<hbm>>
      %dma_start3A_72 = arith.constant 0 : i32
      %dma_start3A_73 = tpu.memref_slice %arg4[%squeeze3A_64, %dma_start3A_72] : memref<100000x64xf32, #tpu.memory_space<hbm>> -> memref<1x64xf32, #tpu.memory_space<hbm>>
      tpu.enqueue_dma source(%dma_start3A_73 : memref<1x64xf32, #tpu.memory_space<hbm>>) target(%dma_start3A_71 : memref<1x64xf32, #tpu.memory_space<hbm>>) target_semaphore(%arg16 : memref<!tpu.dma_semaphore, #tpu.memory_space<semaphore_mem>>)
      %slice3A_74 = vector.extract_strided_slice %get3A_54 {offsets = [2], sizes = [1], strides = [1]} : vector<16xi32> to vector<1xi32>
      %squeeze3A_75 = vector.extract %slice3A_74[0] : i32 from vector<1xi32>
      %mul3A_76 = arith.constant 16 : i32
      %mul3A_77 = arith.muli %scan3A_49, %mul3A_76 : i32
      %add3A_78 = arith.addi %mul3A_2, %mul3A_77 : i32
      %add3A_79 = arith.constant 2 : i32
      %add3A_80 = arith.addi %add3A_78, %add3A_79 : i32
      %dma_start3A_81 = arith.constant 0 : i32
      %dma_start3A_82 = tpu.memref_slice %arg10[%add3A_80, %dma_start3A_81] : memref<16384x64xf32, #tpu.memory_space<hbm>> -> memref<1x64xf32, #tpu.memory_space<hbm>>
      %dma_start3A_83 = arith.constant 0 : i32
      %dma_start3A_84 = tpu.memref_slice %arg4[%squeeze3A_75, %dma_start3A_83] : memref<100000x64xf32, #tpu.memory_space<hbm>> -> memref<1x64xf32, #tpu.memory_space<hbm>>
      tpu.enqueue_dma source(%dma_start3A_84 : memref<1x64xf32, #tpu.memory_space<hbm>>) target(%dma_start3A_82 : memref<1x64xf32, #tpu.memory_space<hbm>>) target_semaphore(%arg16 : memref<!tpu.dma_semaphore, #tpu.memory_space<semaphore_mem>>)
      %slice3A_85 = vector.extract_strided_slice %get3A_54 {offsets = [3], sizes = [1], strides = [1]} : vector<16xi32> to vector<1xi32>
      %squeeze3A_86 = vector.extract %slice3A_85[0] : i32 from vector<1xi32>
      %mul3A_87 = arith.constant 16 : i32
      %mul3A_88 = arith.muli %scan3A_49, %mul3A_87 : i32
      %add3A_89 = arith.addi %mul3A_2, %mul3A_88 : i32
      %add3A_90 = arith.constant 3 : i32
      %add3A_91 = arith.addi %add3A_89, %add3A_90 : i32
      %dma_start3A_92 = arith.constant 0 : i32
      %dma_start3A_93 = tpu.memref_slice %arg10[%add3A_91, %dma_start3A_92] : memref<16384x64xf32, #tpu.memory_space<hbm>> -> memref<1x64xf32, #tpu.memory_space<hbm>>
      %dma_start3A_94 = arith.constant 0 : i32
      %dma_start3A_95 = tpu.memref_slice %arg4[%squeeze3A_86, %dma_start3A_94] : memref<100000x64xf32, #tpu.memory_space<hbm>> -> memref<1x64xf32, #tpu.memory_space<hbm>>
      tpu.enqueue_dma source(%dma_start3A_95 : memref<1x64xf32, #tpu.memory_space<hbm>>) target(%dma_start3A_93 : memref<1x64xf32, #tpu.memory_space<hbm>>) target_semaphore(%arg16 : memref<!tpu.dma_semaphore, #tpu.memory_space<semaphore_mem>>)
      %slice3A_96 = vector.extract_strided_slice %get3A_54 {offsets = [4], sizes = [1], strides = [1]} : vector<16xi32> to vector<1xi32>
      %squeeze3A_97 = vector.extract %slice3A_96[0] : i32 from vector<1xi32>
      %mul3A_98 = arith.constant 16 : i32
      %mul3A_99 = arith.muli %scan3A_49, %mul3A_98 : i32
      %add3A_100 = arith.addi %mul3A_2, %mul3A_99 : i32
      %add3A_101 = arith.constant 4 : i32
      %add3A_102 = arith.addi %add3A_100, %add3A_101 : i32
      %dma_start3A_103 = arith.constant 0 : i32
      %dma_start3A_104 = tpu.memref_slice %arg10[%add3A_102, %dma_start3A_103] : memref<16384x64xf32, #tpu.memory_space<hbm>> -> memref<1x64xf32, #tpu.memory_space<hbm>>
      %dma_start3A_105 = arith.constant 0 : i32
      %dma_start3A_106 = tpu.memref_slice %arg4[%squeeze3A_97, %dma_start3A_105] : memref<100000x64xf32, #tpu.memory_space<hbm>> -> memref<1x64xf32, #tpu.memory_space<hbm>>
      tpu.enqueue_dma source(%dma_start3A_106 : memref<1x64xf32, #tpu.memory_space<hbm>>) target(%dma_start3A_104 : memref<1x64xf32, #tpu.memory_space<hbm>>) target_semaphore(%arg16 : memref<!tpu.dma_semaphore, #tpu.memory_space<semaphore_mem>>)
      %slice3A_107 = vector.extract_strided_slice %get3A_54 {offsets = [5], sizes = [1], strides = [1]} : vector<16xi32> to vector<1xi32>
      %squeeze3A_108 = vector.extract %slice3A_107[0] : i32 from vector<1xi32>
      %mul3A_109 = arith.constant 16 : i32
      %mul3A_110 = arith.muli %scan3A_49, %mul3A_109 : i32
      %add3A_111 = arith.addi %mul3A_2, %mul3A_110 : i32
      %add3A_112 = arith.constant 5 : i32
      %add3A_113 = arith.addi %add3A_111, %add3A_112 : i32
      %dma_start3A_114 = arith.constant 0 : i32
      %dma_start3A_115 = tpu.memref_slice %arg10[%add3A_113, %dma_start3A_114] : memref<16384x64xf32, #tpu.memory_space<hbm>> -> memref<1x64xf32, #tpu.memory_space<hbm>>
      %dma_start3A_116 = arith.constant 0 : i32
      %dma_start3A_117 = tpu.memref_slice %arg4[%squeeze3A_108, %dma_start3A_116] : memref<100000x64xf32, #tpu.memory_space<hbm>> -> memref<1x64xf32, #tpu.memory_space<hbm>>
      tpu.enqueue_dma source(%dma_start3A_117 : memref<1x64xf32, #tpu.memory_space<hbm>>) target(%dma_start3A_115 : memref<1x64xf32, #tpu.memory_space<hbm>>) target_semaphore(%arg16 : memref<!tpu.dma_semaphore, #tpu.memory_space<semaphore_mem>>)
      %slice3A_118 = vector.extract_strided_slice %get3A_54 {offsets = [6], sizes = [1], strides = [1]} : vector<16xi32> to vector<1xi32>
      %squeeze3A_119 = vector.extract %slice3A_118[0] : i32 from vector<1xi32>
      %mul3A_120 = arith.constant 16 : i32
      %mul3A_121 = arith.muli %scan3A_49, %mul3A_120 : i32
      %add3A_122 = arith.addi %mul3A_2, %mul3A_121 : i32
      %add3A_123 = arith.constant 6 : i32
      %add3A_124 = arith.addi %add3A_122, %add3A_123 : i32
      %dma_start3A_125 = arith.constant 0 : i32
      %dma_start3A_126 = tpu.memref_slice %arg10[%add3A_124, %dma_start3A_125] : memref<16384x64xf32, #tpu.memory_space<hbm>> -> memref<1x64xf32, #tpu.memory_space<hbm>>
      %dma_start3A_127 = arith.constant 0 : i32
      %dma_start3A_128 = tpu.memref_slice %arg4[%squeeze3A_119, %dma_start3A_127] : memref<100000x64xf32, #tpu.memory_space<hbm>> -> memref<1x64xf32, #tpu.memory_space<hbm>>
      tpu.enqueue_dma source(%dma_start3A_128 : memref<1x64xf32, #tpu.memory_space<hbm>>) target(%dma_start3A_126 : memref<1x64xf32, #tpu.memory_space<hbm>>) target_semaphore(%arg16 : memref<!tpu.dma_semaphore, #tpu.memory_space<semaphore_mem>>)
      %slice3A_129 = vector.extract_strided_slice %get3A_54 {offsets = [7], sizes = [1], strides = [1]} : vector<16xi32> to vector<1xi32>
      %squeeze3A_130 = vector.extract %slice3A_129[0] : i32 from vector<1xi32>
      %mul3A_131 = arith.constant 16 : i32
      %mul3A_132 = arith.muli %scan3A_49, %mul3A_131 : i32
      %add3A_133 = arith.addi %mul3A_2, %mul3A_132 : i32
      %add3A_134 = arith.constant 7 : i32
      %add3A_135 = arith.addi %add3A_133, %add3A_134 : i32
      %dma_start3A_136 = arith.constant 0 : i32
      %dma_start3A_137 = tpu.memref_slice %arg10[%add3A_135, %dma_start3A_136] : memref<16384x64xf32, #tpu.memory_space<hbm>> -> memref<1x64xf32, #tpu.memory_space<hbm>>
      %dma_start3A_138 = arith.constant 0 : i32
      %dma_start3A_139 = tpu.memref_slice %arg4[%squeeze3A_130, %dma_start3A_138] : memref<100000x64xf32, #tpu.memory_space<hbm>> -> memref<1x64xf32, #tpu.memory_space<hbm>>
      tpu.enqueue_dma source(%dma_start3A_139 : memref<1x64xf32, #tpu.memory_space<hbm>>) target(%dma_start3A_137 : memref<1x64xf32, #tpu.memory_space<hbm>>) target_semaphore(%arg16 : memref<!tpu.dma_semaphore, #tpu.memory_space<semaphore_mem>>)
      %slice3A_140 = vector.extract_strided_slice %get3A_54 {offsets = [8], sizes = [1], strides = [1]} : vector<16xi32> to vector<1xi32>
      %squeeze3A_141 = vector.extract %slice3A_140[0] : i32 from vector<1xi32>
      %mul3A_142 = arith.constant 16 : i32
      %mul3A_143 = arith.muli %scan3A_49, %mul3A_142 : i32
      %add3A_144 = arith.addi %mul3A_2, %mul3A_143 : i32
      %add3A_145 = arith.constant 8 : i32
      %add3A_146 = arith.addi %add3A_144, %add3A_145 : i32
      %dma_start3A_147 = arith.constant 0 : i32
      %dma_start3A_148 = tpu.memref_slice %arg10[%add3A_146, %dma_start3A_147] : memref<16384x64xf32, #tpu.memory_space<hbm>> -> memref<1x64xf32, #tpu.memory_space<hbm>>
      %dma_start3A_149 = arith.constant 0 : i32
      %dma_start3A_150 = tpu.memref_slice %arg4[%squeeze3A_141, %dma_start3A_149] : memref<100000x64xf32, #tpu.memory_space<hbm>> -> memref<1x64xf32, #tpu.memory_space<hbm>>
      tpu.enqueue_dma source(%dma_start3A_150 : memref<1x64xf32, #tpu.memory_space<hbm>>) target(%dma_start3A_148 : memref<1x64xf32, #tpu.memory_space<hbm>>) target_semaphore(%arg16 : memref<!tpu.dma_semaphore, #tpu.memory_space<semaphore_mem>>)
      %slice3A_151 = vector.extract_strided_slice %get3A_54 {offsets = [9], sizes = [1], strides = [1]} : vector<16xi32> to vector<1xi32>
      %squeeze3A_152 = vector.extract %slice3A_151[0] : i32 from vector<1xi32>
      %mul3A_153 = arith.constant 16 : i32
      %mul3A_154 = arith.muli %scan3A_49, %mul3A_153 : i32
      %add3A_155 = arith.addi %mul3A_2, %mul3A_154 : i32
      %add3A_156 = arith.constant 9 : i32
      %add3A_157 = arith.addi %add3A_155, %add3A_156 : i32
      %dma_start3A_158 = arith.constant 0 : i32
      %dma_start3A_159 = tpu.memref_slice %arg10[%add3A_157, %dma_start3A_158] : memref<16384x64xf32, #tpu.memory_space<hbm>> -> memref<1x64xf32, #tpu.memory_space<hbm>>
      %dma_start3A_160 = arith.constant 0 : i32
      %dma_start3A_161 = tpu.memref_slice %arg4[%squeeze3A_152, %dma_start3A_160] : memref<100000x64xf32, #tpu.memory_space<hbm>> -> memref<1x64xf32, #tpu.memory_space<hbm>>
      tpu.enqueue_dma source(%dma_start3A_161 : memref<1x64xf32, #tpu.memory_space<hbm>>) target(%dma_start3A_159 : memref<1x64xf32, #tpu.memory_space<hbm>>) target_semaphore(%arg16 : memref<!tpu.dma_semaphore, #tpu.memory_space<semaphore_mem>>)
      %slice3A_162 = vector.extract_strided_slice %get3A_54 {offsets = [10], sizes = [1], strides = [1]} : vector<16xi32> to vector<1xi32>
      %squeeze3A_163 = vector.extract %slice3A_162[0] : i32 from vector<1xi32>
      %mul3A_164 = arith.constant 16 : i32
      %mul3A_165 = arith.muli %scan3A_49, %mul3A_164 : i32
      %add3A_166 = arith.addi %mul3A_2, %mul3A_165 : i32
      %add3A_167 = arith.constant 10 : i32
      %add3A_168 = arith.addi %add3A_166, %add3A_167 : i32
      %dma_start3A_169 = arith.constant 0 : i32
      %dma_start3A_170 = tpu.memref_slice %arg10[%add3A_168, %dma_start3A_169] : memref<16384x64xf32, #tpu.memory_space<hbm>> -> memref<1x64xf32, #tpu.memory_space<hbm>>
      %dma_start3A_171 = arith.constant 0 : i32
      %dma_start3A_172 = tpu.memref_slice %arg4[%squeeze3A_163, %dma_start3A_171] : memref<100000x64xf32, #tpu.memory_space<hbm>> -> memref<1x64xf32, #tpu.memory_space<hbm>>
      tpu.enqueue_dma source(%dma_start3A_172 : memref<1x64xf32, #tpu.memory_space<hbm>>) target(%dma_start3A_170 : memref<1x64xf32, #tpu.memory_space<hbm>>) target_semaphore(%arg16 : memref<!tpu.dma_semaphore, #tpu.memory_space<semaphore_mem>>)
      %slice3A_173 = vector.extract_strided_slice %get3A_54 {offsets = [11], sizes = [1], strides = [1]} : vector<16xi32> to vector<1xi32>
      %squeeze3A_174 = vector.extract %slice3A_173[0] : i32 from vector<1xi32>
      %mul3A_175 = arith.constant 16 : i32
      %mul3A_176 = arith.muli %scan3A_49, %mul3A_175 : i32
      %add3A_177 = arith.addi %mul3A_2, %mul3A_176 : i32
      %add3A_178 = arith.constant 11 : i32
      %add3A_179 = arith.addi %add3A_177, %add3A_178 : i32
      %dma_start3A_180 = arith.constant 0 : i32
      %dma_start3A_181 = tpu.memref_slice %arg10[%add3A_179, %dma_start3A_180] : memref<16384x64xf32, #tpu.memory_space<hbm>> -> memref<1x64xf32, #tpu.memory_space<hbm>>
      %dma_start3A_182 = arith.constant 0 : i32
      %dma_start3A_183 = tpu.memref_slice %arg4[%squeeze3A_174, %dma_start3A_182] : memref<100000x64xf32, #tpu.memory_space<hbm>> -> memref<1x64xf32, #tpu.memory_space<hbm>>
      tpu.enqueue_dma source(%dma_start3A_183 : memref<1x64xf32, #tpu.memory_space<hbm>>) target(%dma_start3A_181 : memref<1x64xf32, #tpu.memory_space<hbm>>) target_semaphore(%arg16 : memref<!tpu.dma_semaphore, #tpu.memory_space<semaphore_mem>>)
      %slice3A_184 = vector.extract_strided_slice %get3A_54 {offsets = [12], sizes = [1], strides = [1]} : vector<16xi32> to vector<1xi32>
      %squeeze3A_185 = vector.extract %slice3A_184[0] : i32 from vector<1xi32>
      %mul3A_186 = arith.constant 16 : i32
      %mul3A_187 = arith.muli %scan3A_49, %mul3A_186 : i32
      %add3A_188 = arith.addi %mul3A_2, %mul3A_187 : i32
      %add3A_189 = arith.constant 12 : i32
      %add3A_190 = arith.addi %add3A_188, %add3A_189 : i32
      %dma_start3A_191 = arith.constant 0 : i32
      %dma_start3A_192 = tpu.memref_slice %arg10[%add3A_190, %dma_start3A_191] : memref<16384x64xf32, #tpu.memory_space<hbm>> -> memref<1x64xf32, #tpu.memory_space<hbm>>
      %dma_start3A_193 = arith.constant 0 : i32
      %dma_start3A_194 = tpu.memref_slice %arg4[%squeeze3A_185, %dma_start3A_193] : memref<100000x64xf32, #tpu.memory_space<hbm>> -> memref<1x64xf32, #tpu.memory_space<hbm>>
      tpu.enqueue_dma source(%dma_start3A_194 : memref<1x64xf32, #tpu.memory_space<hbm>>) target(%dma_start3A_192 : memref<1x64xf32, #tpu.memory_space<hbm>>) target_semaphore(%arg16 : memref<!tpu.dma_semaphore, #tpu.memory_space<semaphore_mem>>)
      %slice3A_195 = vector.extract_strided_slice %get3A_54 {offsets = [13], sizes = [1], strides = [1]} : vector<16xi32> to vector<1xi32>
      %squeeze3A_196 = vector.extract %slice3A_195[0] : i32 from vector<1xi32>
      %mul3A_197 = arith.constant 16 : i32
      %mul3A_198 = arith.muli %scan3A_49, %mul3A_197 : i32
      %add3A_199 = arith.addi %mul3A_2, %mul3A_198 : i32
      %add3A_200 = arith.constant 13 : i32
      %add3A_201 = arith.addi %add3A_199, %add3A_200 : i32
      %dma_start3A_202 = arith.constant 0 : i32
      %dma_start3A_203 = tpu.memref_slice %arg10[%add3A_201, %dma_start3A_202] : memref<16384x64xf32, #tpu.memory_space<hbm>> -> memref<1x64xf32, #tpu.memory_space<hbm>>
      %dma_start3A_204 = arith.constant 0 : i32
      %dma_start3A_205 = tpu.memref_slice %arg4[%squeeze3A_196, %dma_start3A_204] : memref<100000x64xf32, #tpu.memory_space<hbm>> -> memref<1x64xf32, #tpu.memory_space<hbm>>
      tpu.enqueue_dma source(%dma_start3A_205 : memref<1x64xf32, #tpu.memory_space<hbm>>) target(%dma_start3A_203 : memref<1x64xf32, #tpu.memory_space<hbm>>) target_semaphore(%arg16 : memref<!tpu.dma_semaphore, #tpu.memory_space<semaphore_mem>>)
      %slice3A_206 = vector.extract_strided_slice %get3A_54 {offsets = [14], sizes = [1], strides = [1]} : vector<16xi32> to vector<1xi32>
      %squeeze3A_207 = vector.extract %slice3A_206[0] : i32 from vector<1xi32>
      %mul3A_208 = arith.constant 16 : i32
      %mul3A_209 = arith.muli %scan3A_49, %mul3A_208 : i32
      %add3A_210 = arith.addi %mul3A_2, %mul3A_209 : i32
      %add3A_211 = arith.constant 14 : i32
      %add3A_212 = arith.addi %add3A_210, %add3A_211 : i32
      %dma_start3A_213 = arith.constant 0 : i32
      %dma_start3A_214 = tpu.memref_slice %arg10[%add3A_212, %dma_start3A_213] : memref<16384x64xf32, #tpu.memory_space<hbm>> -> memref<1x64xf32, #tpu.memory_space<hbm>>
      %dma_start3A_215 = arith.constant 0 : i32
      %dma_start3A_216 = tpu.memref_slice %arg4[%squeeze3A_207, %dma_start3A_215] : memref<100000x64xf32, #tpu.memory_space<hbm>> -> memref<1x64xf32, #tpu.memory_space<hbm>>
      tpu.enqueue_dma source(%dma_start3A_216 : memref<1x64xf32, #tpu.memory_space<hbm>>) target(%dma_start3A_214 : memref<1x64xf32, #tpu.memory_space<hbm>>) target_semaphore(%arg16 : memref<!tpu.dma_semaphore, #tpu.memory_space<semaphore_mem>>)
      %slice3A_217 = vector.extract_strided_slice %get3A_54 {offsets = [15], sizes = [1], strides = [1]} : vector<16xi32> to vector<1xi32>
      %squeeze3A_218 = vector.extract %slice3A_217[0] : i32 from vector<1xi32>
      %mul3A_219 = arith.constant 16 : i32
      %mul3A_220 = arith.muli %scan3A_49, %mul3A_219 : i32
      %add3A_221 = arith.addi %mul3A_2, %mul3A_220 : i32
      %add3A_222 = arith.constant 15 : i32
      %add3A_223 = arith.addi %add3A_221, %add3A_222 : i32
      %dma_start3A_224 = arith.constant 0 : i32
      %dma_start3A_225 = tpu.memref_slice %arg10[%add3A_223, %dma_start3A_224] : memref<16384x64xf32, #tpu.memory_space<hbm>> -> memref<1x64xf32, #tpu.memory_space<hbm>>
      %dma_start3A_226 = arith.constant 0 : i32
      %dma_start3A_227 = tpu.memref_slice %arg4[%squeeze3A_218, %dma_start3A_226] : memref<100000x64xf32, #tpu.memory_space<hbm>> -> memref<1x64xf32, #tpu.memory_space<hbm>>
      tpu.enqueue_dma source(%dma_start3A_227 : memref<1x64xf32, #tpu.memory_space<hbm>>) target(%dma_start3A_225 : memref<1x64xf32, #tpu.memory_space<hbm>>) target_semaphore(%arg16 : memref<!tpu.dma_semaphore, #tpu.memory_space<semaphore_mem>>)
      %scan3A_228 = arith.constant 0 : i32
      scf.yield %scan3A_228 : i32
    }
    %scan3A_22 = arith.constant 32 : i32
    %scan3A_23 = arith.constant 0 : i32
    %scan3A_24 = arith.constant 0 : i32
    %scan3A_25 = arith.constant 32 : i32
    %scan3A_26 = arith.addi %scan3A_24, %scan3A_25 : i32
    %scan3A_27 = arith.constant 1 : i32
    %scan3A_28 = scf.for %scan3A_49 = %scan3A_24 to %scan3A_26 step %scan3A_27 iter_args(%scan3A_50 = %scan3A_23) -> (i32)  : i32 {
      %mul3A_51 = arith.constant 16 : i32
      %mul3A_52 = arith.muli %scan3A_49, %mul3A_51 : i32
      %get3A = arith.index_cast %mul3A_52 : i32 to index
      %get3A_53 = tpu.vector_load %arg13[%get3A] {strides = array<i32>} : memref<512xi32, #tpu.memory_space<vmem>>, vector<16xi32>,
      %get3A_54 = vector.shape_cast %get3A_53 : vector<16xi32> to vector<16xi32>
      %slice3A = vector.extract_strided_slice %get3A_54 {offsets = [0], sizes = [1], strides = [1]} : vector<16xi32> to vector<1xi32>
      %squeeze3A = vector.extract %slice3A[0] : i32 from vector<1xi32>
      %mul3A_55 = arith.constant 16 : i32
      %mul3A_56 = arith.muli %scan3A_49, %mul3A_55 : i32
      %add3A_57 = arith.addi %mul3A_2, %mul3A_56 : i32
      %add3A_58 = arith.constant 0 : i32
      %add3A_59 = arith.addi %add3A_57, %add3A_58 : i32
      %dma_start3A = arith.constant 0 : i32
      %dma_start3A_60 = tpu.memref_slice %arg11[%add3A_59, %dma_start3A] : memref<16384x64xf32, #tpu.memory_space<hbm>> -> memref<1x64xf32, #tpu.memory_space<hbm>>
      %dma_start3A_61 = arith.constant 0 : i32
      %dma_start3A_62 = tpu.memref_slice %arg5[%squeeze3A, %dma_start3A_61] : memref<100000x64xf32, #tpu.memory_space<hbm>> -> memref<1x64xf32, #tpu.memory_space<hbm>>
      tpu.enqueue_dma source(%dma_start3A_62 : memref<1x64xf32, #tpu.memory_space<hbm>>) target(%dma_start3A_60 : memref<1x64xf32, #tpu.memory_space<hbm>>) target_semaphore(%arg17 : memref<!tpu.dma_semaphore, #tpu.memory_space<semaphore_mem>>)
      %slice3A_63 = vector.extract_strided_slice %get3A_54 {offsets = [1], sizes = [1], strides = [1]} : vector<16xi32> to vector<1xi32>
      %squeeze3A_64 = vector.extract %slice3A_63[0] : i32 from vector<1xi32>
      %mul3A_65 = arith.constant 16 : i32
      %mul3A_66 = arith.muli %scan3A_49, %mul3A_65 : i32
      %add3A_67 = arith.addi %mul3A_2, %mul3A_66 : i32
      %add3A_68 = arith.constant 1 : i32
      %add3A_69 = arith.addi %add3A_67, %add3A_68 : i32
      %dma_start3A_70 = arith.constant 0 : i32
      %dma_start3A_71 = tpu.memref_slice %arg11[%add3A_69, %dma_start3A_70] : memref<16384x64xf32, #tpu.memory_space<hbm>> -> memref<1x64xf32, #tpu.memory_space<hbm>>
      %dma_start3A_72 = arith.constant 0 : i32
      %dma_start3A_73 = tpu.memref_slice %arg5[%squeeze3A_64, %dma_start3A_72] : memref<100000x64xf32, #tpu.memory_space<hbm>> -> memref<1x64xf32, #tpu.memory_space<hbm>>
      tpu.enqueue_dma source(%dma_start3A_73 : memref<1x64xf32, #tpu.memory_space<hbm>>) target(%dma_start3A_71 : memref<1x64xf32, #tpu.memory_space<hbm>>) target_semaphore(%arg17 : memref<!tpu.dma_semaphore, #tpu.memory_space<semaphore_mem>>)
      %slice3A_74 = vector.extract_strided_slice %get3A_54 {offsets = [2], sizes = [1], strides = [1]} : vector<16xi32> to vector<1xi32>
      %squeeze3A_75 = vector.extract %slice3A_74[0] : i32 from vector<1xi32>
      %mul3A_76 = arith.constant 16 : i32
      %mul3A_77 = arith.muli %scan3A_49, %mul3A_76 : i32
      %add3A_78 = arith.addi %mul3A_2, %mul3A_77 : i32
      %add3A_79 = arith.constant 2 : i32
      %add3A_80 = arith.addi %add3A_78, %add3A_79 : i32
      %dma_start3A_81 = arith.constant 0 : i32
      %dma_start3A_82 = tpu.memref_slice %arg11[%add3A_80, %dma_start3A_81] : memref<16384x64xf32, #tpu.memory_space<hbm>> -> memref<1x64xf32, #tpu.memory_space<hbm>>
      %dma_start3A_83 = arith.constant 0 : i32
      %dma_start3A_84 = tpu.memref_slice %arg5[%squeeze3A_75, %dma_start3A_83] : memref<100000x64xf32, #tpu.memory_space<hbm>> -> memref<1x64xf32, #tpu.memory_space<hbm>>
      tpu.enqueue_dma source(%dma_start3A_84 : memref<1x64xf32, #tpu.memory_space<hbm>>) target(%dma_start3A_82 : memref<1x64xf32, #tpu.memory_space<hbm>>) target_semaphore(%arg17 : memref<!tpu.dma_semaphore, #tpu.memory_space<semaphore_mem>>)
      %slice3A_85 = vector.extract_strided_slice %get3A_54 {offsets = [3], sizes = [1], strides = [1]} : vector<16xi32> to vector<1xi32>
      %squeeze3A_86 = vector.extract %slice3A_85[0] : i32 from vector<1xi32>
      %mul3A_87 = arith.constant 16 : i32
      %mul3A_88 = arith.muli %scan3A_49, %mul3A_87 : i32
      %add3A_89 = arith.addi %mul3A_2, %mul3A_88 : i32
      %add3A_90 = arith.constant 3 : i32
      %add3A_91 = arith.addi %add3A_89, %add3A_90 : i32
      %dma_start3A_92 = arith.constant 0 : i32
      %dma_start3A_93 = tpu.memref_slice %arg11[%add3A_91, %dma_start3A_92] : memref<16384x64xf32, #tpu.memory_space<hbm>> -> memref<1x64xf32, #tpu.memory_space<hbm>>
      %dma_start3A_94 = arith.constant 0 : i32
      %dma_start3A_95 = tpu.memref_slice %arg5[%squeeze3A_86, %dma_start3A_94] : memref<100000x64xf32, #tpu.memory_space<hbm>> -> memref<1x64xf32, #tpu.memory_space<hbm>>
      tpu.enqueue_dma source(%dma_start3A_95 : memref<1x64xf32, #tpu.memory_space<hbm>>) target(%dma_start3A_93 : memref<1x64xf32, #tpu.memory_space<hbm>>) target_semaphore(%arg17 : memref<!tpu.dma_semaphore, #tpu.memory_space<semaphore_mem>>)
      %slice3A_96 = vector.extract_strided_slice %get3A_54 {offsets = [4], sizes = [1], strides = [1]} : vector<16xi32> to vector<1xi32>
      %squeeze3A_97 = vector.extract %slice3A_96[0] : i32 from vector<1xi32>
      %mul3A_98 = arith.constant 16 : i32
      %mul3A_99 = arith.muli %scan3A_49, %mul3A_98 : i32
      %add3A_100 = arith.addi %mul3A_2, %mul3A_99 : i32
      %add3A_101 = arith.constant 4 : i32
      %add3A_102 = arith.addi %add3A_100, %add3A_101 : i32
      %dma_start3A_103 = arith.constant 0 : i32
      %dma_start3A_104 = tpu.memref_slice %arg11[%add3A_102, %dma_start3A_103] : memref<16384x64xf32, #tpu.memory_space<hbm>> -> memref<1x64xf32, #tpu.memory_space<hbm>>
      %dma_start3A_105 = arith.constant 0 : i32
      %dma_start3A_106 = tpu.memref_slice %arg5[%squeeze3A_97, %dma_start3A_105] : memref<100000x64xf32, #tpu.memory_space<hbm>> -> memref<1x64xf32, #tpu.memory_space<hbm>>
      tpu.enqueue_dma source(%dma_start3A_106 : memref<1x64xf32, #tpu.memory_space<hbm>>) target(%dma_start3A_104 : memref<1x64xf32, #tpu.memory_space<hbm>>) target_semaphore(%arg17 : memref<!tpu.dma_semaphore, #tpu.memory_space<semaphore_mem>>)
      %slice3A_107 = vector.extract_strided_slice %get3A_54 {offsets = [5], sizes = [1], strides = [1]} : vector<16xi32> to vector<1xi32>
      %squeeze3A_108 = vector.extract %slice3A_107[0] : i32 from vector<1xi32>
      %mul3A_109 = arith.constant 16 : i32
      %mul3A_110 = arith.muli %scan3A_49, %mul3A_109 : i32
      %add3A_111 = arith.addi %mul3A_2, %mul3A_110 : i32
      %add3A_112 = arith.constant 5 : i32
      %add3A_113 = arith.addi %add3A_111, %add3A_112 : i32
      %dma_start3A_114 = arith.constant 0 : i32
      %dma_start3A_115 = tpu.memref_slice %arg11[%add3A_113, %dma_start3A_114] : memref<16384x64xf32, #tpu.memory_space<hbm>> -> memref<1x64xf32, #tpu.memory_space<hbm>>
      %dma_start3A_116 = arith.constant 0 : i32
      %dma_start3A_117 = tpu.memref_slice %arg5[%squeeze3A_108, %dma_start3A_116] : memref<100000x64xf32, #tpu.memory_space<hbm>> -> memref<1x64xf32, #tpu.memory_space<hbm>>
      tpu.enqueue_dma source(%dma_start3A_117 : memref<1x64xf32, #tpu.memory_space<hbm>>) target(%dma_start3A_115 : memref<1x64xf32, #tpu.memory_space<hbm>>) target_semaphore(%arg17 : memref<!tpu.dma_semaphore, #tpu.memory_space<semaphore_mem>>)
      %slice3A_118 = vector.extract_strided_slice %get3A_54 {offsets = [6], sizes = [1], strides = [1]} : vector<16xi32> to vector<1xi32>
      %squeeze3A_119 = vector.extract %slice3A_118[0] : i32 from vector<1xi32>
      %mul3A_120 = arith.constant 16 : i32
      %mul3A_121 = arith.muli %scan3A_49, %mul3A_120 : i32
      %add3A_122 = arith.addi %mul3A_2, %mul3A_121 : i32
      %add3A_123 = arith.constant 6 : i32
      %add3A_124 = arith.addi %add3A_122, %add3A_123 : i32
      %dma_start3A_125 = arith.constant 0 : i32
      %dma_start3A_126 = tpu.memref_slice %arg11[%add3A_124, %dma_start3A_125] : memref<16384x64xf32, #tpu.memory_space<hbm>> -> memref<1x64xf32, #tpu.memory_space<hbm>>
      %dma_start3A_127 = arith.constant 0 : i32
      %dma_start3A_128 = tpu.memref_slice %arg5[%squeeze3A_119, %dma_start3A_127] : memref<100000x64xf32, #tpu.memory_space<hbm>> -> memref<1x64xf32, #tpu.memory_space<hbm>>
      tpu.enqueue_dma source(%dma_start3A_128 : memref<1x64xf32, #tpu.memory_space<hbm>>) target(%dma_start3A_126 : memref<1x64xf32, #tpu.memory_space<hbm>>) target_semaphore(%arg17 : memref<!tpu.dma_semaphore, #tpu.memory_space<semaphore_mem>>)
      %slice3A_129 = vector.extract_strided_slice %get3A_54 {offsets = [7], sizes = [1], strides = [1]} : vector<16xi32> to vector<1xi32>
      %squeeze3A_130 = vector.extract %slice3A_129[0] : i32 from vector<1xi32>
      %mul3A_131 = arith.constant 16 : i32
      %mul3A_132 = arith.muli %scan3A_49, %mul3A_131 : i32
      %add3A_133 = arith.addi %mul3A_2, %mul3A_132 : i32
      %add3A_134 = arith.constant 7 : i32
      %add3A_135 = arith.addi %add3A_133, %add3A_134 : i32
      %dma_start3A_136 = arith.constant 0 : i32
      %dma_start3A_137 = tpu.memref_slice %arg11[%add3A_135, %dma_start3A_136] : memref<16384x64xf32, #tpu.memory_space<hbm>> -> memref<1x64xf32, #tpu.memory_space<hbm>>
      %dma_start3A_138 = arith.constant 0 : i32
      %dma_start3A_139 = tpu.memref_slice %arg5[%squeeze3A_130, %dma_start3A_138] : memref<100000x64xf32, #tpu.memory_space<hbm>> -> memref<1x64xf32, #tpu.memory_space<hbm>>
      tpu.enqueue_dma source(%dma_start3A_139 : memref<1x64xf32, #tpu.memory_space<hbm>>) target(%dma_start3A_137 : memref<1x64xf32, #tpu.memory_space<hbm>>) target_semaphore(%arg17 : memref<!tpu.dma_semaphore, #tpu.memory_space<semaphore_mem>>)
      %slice3A_140 = vector.extract_strided_slice %get3A_54 {offsets = [8], sizes = [1], strides = [1]} : vector<16xi32> to vector<1xi32>
      %squeeze3A_141 = vector.extract %slice3A_140[0] : i32 from vector<1xi32>
      %mul3A_142 = arith.constant 16 : i32
      %mul3A_143 = arith.muli %scan3A_49, %mul3A_142 : i32
      %add3A_144 = arith.addi %mul3A_2, %mul3A_143 : i32
      %add3A_145 = arith.constant 8 : i32
      %add3A_146 = arith.addi %add3A_144, %add3A_145 : i32
      %dma_start3A_147 = arith.constant 0 : i32
      %dma_start3A_148 = tpu.memref_slice %arg11[%add3A_146, %dma_start3A_147] : memref<16384x64xf32, #tpu.memory_space<hbm>> -> memref<1x64xf32, #tpu.memory_space<hbm>>
      %dma_start3A_149 = arith.constant 0 : i32
      %dma_start3A_150 = tpu.memref_slice %arg5[%squeeze3A_141, %dma_start3A_149] : memref<100000x64xf32, #tpu.memory_space<hbm>> -> memref<1x64xf32, #tpu.memory_space<hbm>>
      tpu.enqueue_dma source(%dma_start3A_150 : memref<1x64xf32, #tpu.memory_space<hbm>>) target(%dma_start3A_148 : memref<1x64xf32, #tpu.memory_space<hbm>>) target_semaphore(%arg17 : memref<!tpu.dma_semaphore, #tpu.memory_space<semaphore_mem>>)
      %slice3A_151 = vector.extract_strided_slice %get3A_54 {offsets = [9], sizes = [1], strides = [1]} : vector<16xi32> to vector<1xi32>
      %squeeze3A_152 = vector.extract %slice3A_151[0] : i32 from vector<1xi32>
      %mul3A_153 = arith.constant 16 : i32
      %mul3A_154 = arith.muli %scan3A_49, %mul3A_153 : i32
      %add3A_155 = arith.addi %mul3A_2, %mul3A_154 : i32
      %add3A_156 = arith.constant 9 : i32
      %add3A_157 = arith.addi %add3A_155, %add3A_156 : i32
      %dma_start3A_158 = arith.constant 0 : i32
      %dma_start3A_159 = tpu.memref_slice %arg11[%add3A_157, %dma_start3A_158] : memref<16384x64xf32, #tpu.memory_space<hbm>> -> memref<1x64xf32, #tpu.memory_space<hbm>>
      %dma_start3A_160 = arith.constant 0 : i32
      %dma_start3A_161 = tpu.memref_slice %arg5[%squeeze3A_152, %dma_start3A_160] : memref<100000x64xf32, #tpu.memory_space<hbm>> -> memref<1x64xf32, #tpu.memory_space<hbm>>
      tpu.enqueue_dma source(%dma_start3A_161 : memref<1x64xf32, #tpu.memory_space<hbm>>) target(%dma_start3A_159 : memref<1x64xf32, #tpu.memory_space<hbm>>) target_semaphore(%arg17 : memref<!tpu.dma_semaphore, #tpu.memory_space<semaphore_mem>>)
      %slice3A_162 = vector.extract_strided_slice %get3A_54 {offsets = [10], sizes = [1], strides = [1]} : vector<16xi32> to vector<1xi32>
      %squeeze3A_163 = vector.extract %slice3A_162[0] : i32 from vector<1xi32>
      %mul3A_164 = arith.constant 16 : i32
      %mul3A_165 = arith.muli %scan3A_49, %mul3A_164 : i32
      %add3A_166 = arith.addi %mul3A_2, %mul3A_165 : i32
      %add3A_167 = arith.constant 10 : i32
      %add3A_168 = arith.addi %add3A_166, %add3A_167 : i32
      %dma_start3A_169 = arith.constant 0 : i32
      %dma_start3A_170 = tpu.memref_slice %arg11[%add3A_168, %dma_start3A_169] : memref<16384x64xf32, #tpu.memory_space<hbm>> -> memref<1x64xf32, #tpu.memory_space<hbm>>
      %dma_start3A_171 = arith.constant 0 : i32
      %dma_start3A_172 = tpu.memref_slice %arg5[%squeeze3A_163, %dma_start3A_171] : memref<100000x64xf32, #tpu.memory_space<hbm>> -> memref<1x64xf32, #tpu.memory_space<hbm>>
      tpu.enqueue_dma source(%dma_start3A_172 : memref<1x64xf32, #tpu.memory_space<hbm>>) target(%dma_start3A_170 : memref<1x64xf32, #tpu.memory_space<hbm>>) target_semaphore(%arg17 : memref<!tpu.dma_semaphore, #tpu.memory_space<semaphore_mem>>)
      %slice3A_173 = vector.extract_strided_slice %get3A_54 {offsets = [11], sizes = [1], strides = [1]} : vector<16xi32> to vector<1xi32>
      %squeeze3A_174 = vector.extract %slice3A_173[0] : i32 from vector<1xi32>
      %mul3A_175 = arith.constant 16 : i32
      %mul3A_176 = arith.muli %scan3A_49, %mul3A_175 : i32
      %add3A_177 = arith.addi %mul3A_2, %mul3A_176 : i32
      %add3A_178 = arith.constant 11 : i32
      %add3A_179 = arith.addi %add3A_177, %add3A_178 : i32
      %dma_start3A_180 = arith.constant 0 : i32
      %dma_start3A_181 = tpu.memref_slice %arg11[%add3A_179, %dma_start3A_180] : memref<16384x64xf32, #tpu.memory_space<hbm>> -> memref<1x64xf32, #tpu.memory_space<hbm>>
      %dma_start3A_182 = arith.constant 0 : i32
      %dma_start3A_183 = tpu.memref_slice %arg5[%squeeze3A_174, %dma_start3A_182] : memref<100000x64xf32, #tpu.memory_space<hbm>> -> memref<1x64xf32, #tpu.memory_space<hbm>>
      tpu.enqueue_dma source(%dma_start3A_183 : memref<1x64xf32, #tpu.memory_space<hbm>>) target(%dma_start3A_181 : memref<1x64xf32, #tpu.memory_space<hbm>>) target_semaphore(%arg17 : memref<!tpu.dma_semaphore, #tpu.memory_space<semaphore_mem>>)
      %slice3A_184 = vector.extract_strided_slice %get3A_54 {offsets = [12], sizes = [1], strides = [1]} : vector<16xi32> to vector<1xi32>
      %squeeze3A_185 = vector.extract %slice3A_184[0] : i32 from vector<1xi32>
      %mul3A_186 = arith.constant 16 : i32
      %mul3A_187 = arith.muli %scan3A_49, %mul3A_186 : i32
      %add3A_188 = arith.addi %mul3A_2, %mul3A_187 : i32
      %add3A_189 = arith.constant 12 : i32
      %add3A_190 = arith.addi %add3A_188, %add3A_189 : i32
      %dma_start3A_191 = arith.constant 0 : i32
      %dma_start3A_192 = tpu.memref_slice %arg11[%add3A_190, %dma_start3A_191] : memref<16384x64xf32, #tpu.memory_space<hbm>> -> memref<1x64xf32, #tpu.memory_space<hbm>>
      %dma_start3A_193 = arith.constant 0 : i32
      %dma_start3A_194 = tpu.memref_slice %arg5[%squeeze3A_185, %dma_start3A_193] : memref<100000x64xf32, #tpu.memory_space<hbm>> -> memref<1x64xf32, #tpu.memory_space<hbm>>
      tpu.enqueue_dma source(%dma_start3A_194 : memref<1x64xf32, #tpu.memory_space<hbm>>) target(%dma_start3A_192 : memref<1x64xf32, #tpu.memory_space<hbm>>) target_semaphore(%arg17 : memref<!tpu.dma_semaphore, #tpu.memory_space<semaphore_mem>>)
      %slice3A_195 = vector.extract_strided_slice %get3A_54 {offsets = [13], sizes = [1], strides = [1]} : vector<16xi32> to vector<1xi32>
      %squeeze3A_196 = vector.extract %slice3A_195[0] : i32 from vector<1xi32>
      %mul3A_197 = arith.constant 16 : i32
      %mul3A_198 = arith.muli %scan3A_49, %mul3A_197 : i32
      %add3A_199 = arith.addi %mul3A_2, %mul3A_198 : i32
      %add3A_200 = arith.constant 13 : i32
      %add3A_201 = arith.addi %add3A_199, %add3A_200 : i32
      %dma_start3A_202 = arith.constant 0 : i32
      %dma_start3A_203 = tpu.memref_slice %arg11[%add3A_201, %dma_start3A_202] : memref<16384x64xf32, #tpu.memory_space<hbm>> -> memref<1x64xf32, #tpu.memory_space<hbm>>
      %dma_start3A_204 = arith.constant 0 : i32
      %dma_start3A_205 = tpu.memref_slice %arg5[%squeeze3A_196, %dma_start3A_204] : memref<100000x64xf32, #tpu.memory_space<hbm>> -> memref<1x64xf32, #tpu.memory_space<hbm>>
      tpu.enqueue_dma source(%dma_start3A_205 : memref<1x64xf32, #tpu.memory_space<hbm>>) target(%dma_start3A_203 : memref<1x64xf32, #tpu.memory_space<hbm>>) target_semaphore(%arg17 : memref<!tpu.dma_semaphore, #tpu.memory_space<semaphore_mem>>)
      %slice3A_206 = vector.extract_strided_slice %get3A_54 {offsets = [14], sizes = [1], strides = [1]} : vector<16xi32> to vector<1xi32>
      %squeeze3A_207 = vector.extract %slice3A_206[0] : i32 from vector<1xi32>
      %mul3A_208 = arith.constant 16 : i32
      %mul3A_209 = arith.muli %scan3A_49, %mul3A_208 : i32
      %add3A_210 = arith.addi %mul3A_2, %mul3A_209 : i32
      %add3A_211 = arith.constant 14 : i32
      %add3A_212 = arith.addi %add3A_210, %add3A_211 : i32
      %dma_start3A_213 = arith.constant 0 : i32
      %dma_start3A_214 = tpu.memref_slice %arg11[%add3A_212, %dma_start3A_213] : memref<16384x64xf32, #tpu.memory_space<hbm>> -> memref<1x64xf32, #tpu.memory_space<hbm>>
      %dma_start3A_215 = arith.constant 0 : i32
      %dma_start3A_216 = tpu.memref_slice %arg5[%squeeze3A_207, %dma_start3A_215] : memref<100000x64xf32, #tpu.memory_space<hbm>> -> memref<1x64xf32, #tpu.memory_space<hbm>>
      tpu.enqueue_dma source(%dma_start3A_216 : memref<1x64xf32, #tpu.memory_space<hbm>>) target(%dma_start3A_214 : memref<1x64xf32, #tpu.memory_space<hbm>>) target_semaphore(%arg17 : memref<!tpu.dma_semaphore, #tpu.memory_space<semaphore_mem>>)
      %slice3A_217 = vector.extract_strided_slice %get3A_54 {offsets = [15], sizes = [1], strides = [1]} : vector<16xi32> to vector<1xi32>
      %squeeze3A_218 = vector.extract %slice3A_217[0] : i32 from vector<1xi32>
      %mul3A_219 = arith.constant 16 : i32
      %mul3A_220 = arith.muli %scan3A_49, %mul3A_219 : i32
      %add3A_221 = arith.addi %mul3A_2, %mul3A_220 : i32
      %add3A_222 = arith.constant 15 : i32
      %add3A_223 = arith.addi %add3A_221, %add3A_222 : i32
      %dma_start3A_224 = arith.constant 0 : i32
      %dma_start3A_225 = tpu.memref_slice %arg11[%add3A_223, %dma_start3A_224] : memref<16384x64xf32, #tpu.memory_space<hbm>> -> memref<1x64xf32, #tpu.memory_space<hbm>>
      %dma_start3A_226 = arith.constant 0 : i32
      %dma_start3A_227 = tpu.memref_slice %arg5[%squeeze3A_218, %dma_start3A_226] : memref<100000x64xf32, #tpu.memory_space<hbm>> -> memref<1x64xf32, #tpu.memory_space<hbm>>
      tpu.enqueue_dma source(%dma_start3A_227 : memref<1x64xf32, #tpu.memory_space<hbm>>) target(%dma_start3A_225 : memref<1x64xf32, #tpu.memory_space<hbm>>) target_semaphore(%arg17 : memref<!tpu.dma_semaphore, #tpu.memory_space<semaphore_mem>>)
      %scan3A_228 = arith.constant 0 : i32
      scf.yield %scan3A_228 : i32
    }
    %scan3A_29 = arith.constant 32 : i32
    %dma_wait3A = arith.constant 0 : i32
    %dma_wait3A_30 = tpu.memref_slice %arg8[%mul3A_2, %dma_wait3A] : memref<16384x64xf32, #tpu.memory_space<hbm>> -> memref<512x64xf32, #tpu.memory_space<hbm>>
    %dma_wait3A_31 = arith.constant 0 : i32
    %dma_wait3A_32 = arith.constant 0 : i32
    %dma_wait3A_33 = tpu.memref_slice %arg2[%dma_wait3A_31, %dma_wait3A_32] : memref<100000x64xf32, #tpu.memory_space<hbm>> -> memref<512x64xf32, #tpu.memory_space<hbm>>
    tpu.wait_dma2 semaphore(%arg14 : memref<!tpu.dma_semaphore, #tpu.memory_space<semaphore_mem>>) src(%dma_wait3A_33 : memref<512x64xf32, #tpu.memory_space<hbm>>) dst(%dma_wait3A_30 : memref<512x64xf32, #tpu.memory_space<hbm>>)
    %dma_wait3A_34 = arith.constant 0 : i32
    %dma_wait3A_35 = tpu.memref_slice %arg9[%mul3A_2, %dma_wait3A_34] : memref<16384x64xf32, #tpu.memory_space<hbm>> -> memref<512x64xf32, #tpu.memory_space<hbm>>
    %dma_wait3A_36 = arith.constant 0 : i32
    %dma_wait3A_37 = arith.constant 0 : i32
    %dma_wait3A_38 = tpu.memref_slice %arg3[%dma_wait3A_36, %dma_wait3A_37] : memref<100000x64xf32, #tpu.memory_space<hbm>> -> memref<512x64xf32, #tpu.memory_space<hbm>>
    tpu.wait_dma2 semaphore(%arg15 : memref<!tpu.dma_semaphore, #tpu.memory_space<semaphore_mem>>) src(%dma_wait3A_38 : memref<512x64xf32, #tpu.memory_space<hbm>>) dst(%dma_wait3A_35 : memref<512x64xf32, #tpu.memory_space<hbm>>)
    %dma_wait3A_39 = arith.constant 0 : i32
    %dma_wait3A_40 = tpu.memref_slice %arg10[%mul3A_2, %dma_wait3A_39] : memref<16384x64xf32, #tpu.memory_space<hbm>> -> memref<512x64xf32, #tpu.memory_space<hbm>>
    %dma_wait3A_41 = arith.constant 0 : i32
    %dma_wait3A_42 = arith.constant 0 : i32
    %dma_wait3A_43 = tpu.memref_slice %arg4[%dma_wait3A_41, %dma_wait3A_42] : memref<100000x64xf32, #tpu.memory_space<hbm>> -> memref<512x64xf32, #tpu.memory_space<hbm>>
    tpu.wait_dma2 semaphore(%arg16 : memref<!tpu.dma_semaphore, #tpu.memory_space<semaphore_mem>>) src(%dma_wait3A_43 : memref<512x64xf32, #tpu.memory_space<hbm>>) dst(%dma_wait3A_40 : memref<512x64xf32, #tpu.memory_space<hbm>>)
    %dma_wait3A_44 = arith.constant 0 : i32
    %dma_wait3A_45 = tpu.memref_slice %arg11[%mul3A_2, %dma_wait3A_44] : memref<16384x64xf32, #tpu.memory_space<hbm>> -> memref<512x64xf32, #tpu.memory_space<hbm>>
    %dma_wait3A_46 = arith.constant 0 : i32
    %dma_wait3A_47 = arith.constant 0 : i32
    %dma_wait3A_48 = tpu.memref_slice %arg5[%dma_wait3A_46, %dma_wait3A_47] : memref<100000x64xf32, #tpu.memory_space<hbm>> -> memref<512x64xf32, #tpu.memory_space<hbm>>
    tpu.wait_dma2 semaphore(%arg17 : memref<!tpu.dma_semaphore, #tpu.memory_space<semaphore_mem>>) src(%dma_wait3A_48 : memref<512x64xf32, #tpu.memory_space<hbm>>) dst(%dma_wait3A_45 : memref<512x64xf32, #tpu.memory_space<hbm>>)
    return
  }
}

module attributes {stable_mosaic.version = 14 : i64} {
  func.func @_tc_body(%arg0: i32, %arg1: memref<4096x64xf32, #tpu.memory_space<vmem>>, %arg2: memref<4096x64xf32, #tpu.memory_space<vmem>>, %arg3: memref<4096x64xf32, #tpu.memory_space<vmem>>, %arg4: memref<4096x64xf32, #tpu.memory_space<vmem>>, %arg5: memref<64x256xf32, #tpu.memory_space<vmem>>, %arg6: memref<64x256xf32, #tpu.memory_space<vmem>>, %arg7: memref<1x256xf32, #tpu.memory_space<vmem>>, %arg8: memref<1x256xf32, #tpu.memory_space<vmem>>, %arg9: memref<1x256xf32, #tpu.memory_space<vmem>>, %arg10: memref<256x128xf32, #tpu.memory_space<vmem>>, %arg11: memref<1x128xf32, #tpu.memory_space<vmem>>, %arg12: memref<1x128xf32, #tpu.memory_space<vmem>>, %arg13: memref<1x128xf32, #tpu.memory_space<vmem>>, %arg14: memref<128x64xf32, #tpu.memory_space<vmem>>, %arg15: memref<1x64xf32, #tpu.memory_space<vmem>>, %arg16: memref<1x64xf32, #tpu.memory_space<vmem>>, %arg17: memref<1x64xf32, #tpu.memory_space<vmem>>, %arg18: memref<1x64xf32, #tpu.memory_space<vmem>>, %arg19: memref<1x64xf32, #tpu.memory_space<vmem>>, %arg20: memref<1x1xf32, #tpu.memory_space<vmem>>, %arg21: memref<4096xf32, #tpu.memory_space<vmem>>) attributes {dimension_semantics = [#tpu.dimension_semantics<arbitrary>], iteration_bounds = array<i64: 4>, scalar_prefetch = 0 : i64, scratch_operands = 0 : i64, tpu.core_type = #tpu.core_type<tc>, window_params = [{transform_indices = @transform_0, window_bounds = array<i64: 4096, 64>}, {transform_indices = @transform_1, window_bounds = array<i64: 4096, 64>}, {transform_indices = @transform_2, window_bounds = array<i64: 4096, 64>}, {transform_indices = @transform_3, window_bounds = array<i64: 4096, 64>}, {pipeline_mode = #tpu.pipeline_mode<synchronous>, transform_indices = @transform_4, window_bounds = array<i64: 64, 256>}, {pipeline_mode = #tpu.pipeline_mode<synchronous>, transform_indices = @transform_5, window_bounds = array<i64: 64, 256>}, {pipeline_mode = #tpu.pipeline_mode<synchronous>, transform_indices = @transform_6, window_bounds = array<i64: 1, 256>}, {pipeline_mode = #tpu.pipeline_mode<synchronous>, transform_indices = @transform_7, window_bounds = array<i64: 1, 256>}, {pipeline_mode = #tpu.pipeline_mode<synchronous>, transform_indices = @transform_8, window_bounds = array<i64: 1, 256>}, {pipeline_mode = #tpu.pipeline_mode<synchronous>, transform_indices = @transform_9, window_bounds = array<i64: 256, 128>}, {pipeline_mode = #tpu.pipeline_mode<synchronous>, transform_indices = @transform_10, window_bounds = array<i64: 1, 128>}, {pipeline_mode = #tpu.pipeline_mode<synchronous>, transform_indices = @transform_11, window_bounds = array<i64: 1, 128>}, {pipeline_mode = #tpu.pipeline_mode<synchronous>, transform_indices = @transform_12, window_bounds = array<i64: 1, 128>}, {pipeline_mode = #tpu.pipeline_mode<synchronous>, transform_indices = @transform_13, window_bounds = array<i64: 128, 64>}, {pipeline_mode = #tpu.pipeline_mode<synchronous>, transform_indices = @transform_14, window_bounds = array<i64: 1, 64>}, {pipeline_mode = #tpu.pipeline_mode<synchronous>, transform_indices = @transform_15, window_bounds = array<i64: 1, 64>}, {pipeline_mode = #tpu.pipeline_mode<synchronous>, transform_indices = @transform_16, window_bounds = array<i64: 1, 64>}, {pipeline_mode = #tpu.pipeline_mode<synchronous>, transform_indices = @transform_17, window_bounds = array<i64: 1, 64>}, {pipeline_mode = #tpu.pipeline_mode<synchronous>, transform_indices = @transform_18, window_bounds = array<i64: 1, 64>}, {pipeline_mode = #tpu.pipeline_mode<synchronous>, transform_indices = @transform_19, window_bounds = array<i64: 1, 1>}, {transform_indices = @transform_20, window_bounds = array<i64: 4096>}]} {
    %get3A = arith.constant 0 : index
    %get3A_0 = arith.constant 0 : index
    %get3A_1 = vector.load %arg2[%get3A, %get3A_0] : memref<4096x64xf32, #tpu.memory_space<vmem>>, vector<4096x64xf32>
    %get3A_2 = arith.constant 0 : index
    %get3A_3 = arith.constant 0 : index
    %get3A_4 = vector.load %arg4[%get3A_2, %get3A_3] : memref<4096x64xf32, #tpu.memory_space<vmem>>, vector<4096x64xf32>
    %get3A_5 = arith.constant 0 : index
    %get3A_6 = arith.constant 0 : index
    %get3A_7 = vector.load %arg5[%get3A_5, %get3A_6] : memref<64x256xf32, #tpu.memory_space<vmem>>, vector<64x256xf32>
    %dot_general3A = arith.constant dense<0.000000e+00> : vector<4096x256xf32>
    %dot_general3A_8 = tpu.matmul %get3A_1, %get3A_7, %dot_general3A {dimension_numbers = #tpu.dot_dimension_numbers<[1], [0], [0], [1], [0, 0, 1, 1], [], []>, transpose_lhs_hint = false} : vector<4096x64xf32>, vector<64x256xf32>, vector<4096x256xf32> -> vector<4096x256xf32>
    %get3A_9 = arith.constant 0 : index
    %get3A_10 = arith.constant 0 : index
    %get3A_11 = vector.load %arg6[%get3A_9, %get3A_10] : memref<64x256xf32, #tpu.memory_space<vmem>>, vector<64x256xf32>
    %dot_general3A_12 = arith.constant dense<0.000000e+00> : vector<4096x256xf32>
    %dot_general3A_13 = tpu.matmul %get3A_4, %get3A_11, %dot_general3A_12 {dimension_numbers = #tpu.dot_dimension_numbers<[1], [0], [0], [1], [0, 0, 1, 1], [], []>, transpose_lhs_hint = false} : vector<4096x64xf32>, vector<64x256xf32>, vector<4096x256xf32> -> vector<4096x256xf32>
    %add3A = arith.addf %dot_general3A_8, %dot_general3A_13 : vector<4096x256xf32>
    %get3A_14 = arith.constant 0 : index
    %get3A_15 = arith.constant 0 : index
    %get3A_16 = vector.load %arg7[%get3A_14, %get3A_15] : memref<1x256xf32, #tpu.memory_space<vmem>>, vector<1x256xf32>
    %add3A_17 = vector.broadcast %get3A_16 : vector<1x256xf32> to vector<4096x256xf32>
    %add3A_18 = arith.addf %add3A, %add3A_17 : vector<4096x256xf32>
    %max3A = arith.constant 0.000000e+00 : f32
    %max3A_19 = vector.broadcast %max3A : f32 to vector<4096x256xf32>
    %max3A_20 = arith.maximumf %add3A_18, %max3A_19 : vector<4096x256xf32>
    %get3A_21 = arith.constant 0 : index
    %get3A_22 = arith.constant 0 : index
    %get3A_23 = vector.load %arg8[%get3A_21, %get3A_22] : memref<1x256xf32, #tpu.memory_space<vmem>>, vector<1x256xf32>
    %mul3A = vector.broadcast %get3A_23 : vector<1x256xf32> to vector<4096x256xf32>
    %mul3A_24 = arith.mulf %max3A_20, %mul3A : vector<4096x256xf32>
    %get3A_25 = arith.constant 0 : index
    %get3A_26 = arith.constant 0 : index
    %get3A_27 = vector.load %arg9[%get3A_25, %get3A_26] : memref<1x256xf32, #tpu.memory_space<vmem>>, vector<1x256xf32>
    %add3A_28 = vector.broadcast %get3A_27 : vector<1x256xf32> to vector<4096x256xf32>
    %add3A_29 = arith.addf %mul3A_24, %add3A_28 : vector<4096x256xf32>
    %get3A_30 = arith.constant 0 : index
    %get3A_31 = arith.constant 0 : index
    %get3A_32 = vector.load %arg10[%get3A_30, %get3A_31] : memref<256x128xf32, #tpu.memory_space<vmem>>, vector<256x128xf32>
    %dot_general3A_33 = arith.constant dense<0.000000e+00> : vector<4096x128xf32>
    %dot_general3A_34 = tpu.matmul %add3A_29, %get3A_32, %dot_general3A_33 {dimension_numbers = #tpu.dot_dimension_numbers<[1], [0], [0], [1], [0, 0, 1, 1], [], []>, transpose_lhs_hint = false} : vector<4096x256xf32>, vector<256x128xf32>, vector<4096x128xf32> -> vector<4096x128xf32>
    %get3A_35 = arith.constant 0 : index
    %get3A_36 = arith.constant 0 : index
    %get3A_37 = vector.load %arg11[%get3A_35, %get3A_36] : memref<1x128xf32, #tpu.memory_space<vmem>>, vector<1x128xf32>
    %add3A_38 = vector.broadcast %get3A_37 : vector<1x128xf32> to vector<4096x128xf32>
    %add3A_39 = arith.addf %dot_general3A_34, %add3A_38 : vector<4096x128xf32>
    %max3A_40 = arith.constant 0.000000e+00 : f32
    %max3A_41 = vector.broadcast %max3A_40 : f32 to vector<4096x128xf32>
    %max3A_42 = arith.maximumf %add3A_39, %max3A_41 : vector<4096x128xf32>
    %get3A_43 = arith.constant 0 : index
    %get3A_44 = arith.constant 0 : index
    %get3A_45 = vector.load %arg12[%get3A_43, %get3A_44] : memref<1x128xf32, #tpu.memory_space<vmem>>, vector<1x128xf32>
    %mul3A_46 = vector.broadcast %get3A_45 : vector<1x128xf32> to vector<4096x128xf32>
    %mul3A_47 = arith.mulf %max3A_42, %mul3A_46 : vector<4096x128xf32>
    %get3A_48 = arith.constant 0 : index
    %get3A_49 = arith.constant 0 : index
    %get3A_50 = vector.load %arg13[%get3A_48, %get3A_49] : memref<1x128xf32, #tpu.memory_space<vmem>>, vector<1x128xf32>
    %add3A_51 = vector.broadcast %get3A_50 : vector<1x128xf32> to vector<4096x128xf32>
    %add3A_52 = arith.addf %mul3A_47, %add3A_51 : vector<4096x128xf32>
    %get3A_53 = arith.constant 0 : index
    %get3A_54 = arith.constant 0 : index
    %get3A_55 = vector.load %arg14[%get3A_53, %get3A_54] : memref<128x64xf32, #tpu.memory_space<vmem>>, vector<128x64xf32>
    %dot_general3A_56 = arith.constant dense<0.000000e+00> : vector<4096x64xf32>
    %dot_general3A_57 = tpu.matmul %add3A_52, %get3A_55, %dot_general3A_56 {dimension_numbers = #tpu.dot_dimension_numbers<[1], [0], [0], [1], [0, 0, 1, 1], [], []>, transpose_lhs_hint = false} : vector<4096x128xf32>, vector<128x64xf32>, vector<4096x64xf32> -> vector<4096x64xf32>
    %get3A_58 = arith.constant 0 : index
    %get3A_59 = arith.constant 0 : index
    %get3A_60 = vector.load %arg15[%get3A_58, %get3A_59] : memref<1x64xf32, #tpu.memory_space<vmem>>, vector<1x64xf32>
    %add3A_61 = vector.broadcast %get3A_60 : vector<1x64xf32> to vector<4096x64xf32>
    %add3A_62 = arith.addf %dot_general3A_57, %add3A_61 : vector<4096x64xf32>
    %max3A_63 = arith.constant 0.000000e+00 : f32
    %max3A_64 = vector.broadcast %max3A_63 : f32 to vector<4096x64xf32>
    %max3A_65 = arith.maximumf %add3A_62, %max3A_64 : vector<4096x64xf32>
    %get3A_66 = arith.constant 0 : index
    %get3A_67 = arith.constant 0 : index
    %get3A_68 = vector.load %arg16[%get3A_66, %get3A_67] : memref<1x64xf32, #tpu.memory_space<vmem>>, vector<1x64xf32>
    %mul3A_69 = vector.broadcast %get3A_68 : vector<1x64xf32> to vector<4096x64xf32>
    %mul3A_70 = arith.mulf %max3A_65, %mul3A_69 : vector<4096x64xf32>
    %get3A_71 = arith.constant 0 : index
    %get3A_72 = arith.constant 0 : index
    %get3A_73 = vector.load %arg17[%get3A_71, %get3A_72] : memref<1x64xf32, #tpu.memory_space<vmem>>, vector<1x64xf32>
    %add3A_74 = vector.broadcast %get3A_73 : vector<1x64xf32> to vector<4096x64xf32>
    %add3A_75 = arith.addf %mul3A_70, %add3A_74 : vector<4096x64xf32>
    %get3A_76 = arith.constant 0 : index
    %get3A_77 = arith.constant 0 : index
    %get3A_78 = vector.load %arg1[%get3A_76, %get3A_77] : memref<4096x64xf32, #tpu.memory_space<vmem>>, vector<4096x64xf32>
    %get3A_79 = arith.constant 0 : index
    %get3A_80 = arith.constant 0 : index
    %get3A_81 = vector.load %arg3[%get3A_79, %get3A_80] : memref<4096x64xf32, #tpu.memory_space<vmem>>, vector<4096x64xf32>
    %mul3A_82 = arith.mulf %get3A_78, %get3A_81 : vector<4096x64xf32>
    %get3A_83 = arith.constant 0 : index
    %get3A_84 = arith.constant 0 : index
    %get3A_85 = vector.load %arg18[%get3A_83, %get3A_84] : memref<1x64xf32, #tpu.memory_space<vmem>>, vector<1x64xf32>
    %mul3A_86 = vector.broadcast %get3A_85 : vector<1x64xf32> to vector<4096x64xf32>
    %mul3A_87 = arith.mulf %mul3A_82, %mul3A_86 : vector<4096x64xf32>
    %get3A_88 = arith.constant 0 : index
    %get3A_89 = arith.constant 0 : index
    %get3A_90 = vector.load %arg19[%get3A_88, %get3A_89] : memref<1x64xf32, #tpu.memory_space<vmem>>, vector<1x64xf32>
    %mul3A_91 = vector.broadcast %get3A_90 : vector<1x64xf32> to vector<4096x64xf32>
    %mul3A_92 = arith.mulf %add3A_75, %mul3A_91 : vector<4096x64xf32>
    %add3A_93 = arith.addf %mul3A_87, %mul3A_92 : vector<4096x64xf32>
    %reduce_sum3A = arith.constant dense<0.000000e+00> : vector<4096xf32>
    %reduce_sum3A_94 = vector.multi_reduction <add>, %add3A_93, %reduce_sum3A [1] : vector<4096x64xf32> to vector<4096xf32>
    %get3A_95 = arith.constant 0 : index
    %get3A_96 = arith.constant 0 : index
    %get3A_97 = vector.load %arg20[%get3A_95, %get3A_96] : memref<1x1xf32, #tpu.memory_space<vmem>>, vector<1x1xf32>
    %get3A_98 = vector.extract %get3A_97[0, 0] : f32 from vector<1x1xf32>
    %add3A_99 = vector.broadcast %get3A_98 : f32 to vector<4096xf32>
    %add3A_100 = arith.addf %reduce_sum3A_94, %add3A_99 : vector<4096xf32>
    %logistic3A = arith.negf %add3A_100 : vector<4096xf32>
    %logistic3A_101 = math.exp %logistic3A : vector<4096xf32>
    %logistic3A_102 = arith.constant 1.000000e+00 : f32
    %logistic3A_103 = vector.broadcast %logistic3A_102 : f32 to vector<4096xf32>
    %logistic3A_104 = arith.addf %logistic3A_103, %logistic3A_101 : vector<4096xf32>
    %logistic3A_105 = arith.divf %logistic3A_103, %logistic3A_104 : vector<4096xf32>
    %swap3A = arith.constant 0 : index
    %swap3A_106 = vector.load %arg21[%swap3A] : memref<4096xf32, #tpu.memory_space<vmem>>, vector<4096xf32>
    tpu.vector_store %arg21[%swap3A], %logistic3A_105 {strides = array<i32>} : memref<4096xf32, #tpu.memory_space<vmem>>, vector<4096xf32>,
    return
  }
  func.func @transform_0(%arg0: i32) -> (i32, i32) {
    %c0_i32 = arith.constant 0 : i32
    %c0_i32_0 = arith.constant 0 : i32
    return %arg0, %c0_i32 : i32, i32
  }
  func.func @transform_1(%arg0: i32) -> (i32, i32) {
    %c0_i32 = arith.constant 0 : i32
    %c0_i32_0 = arith.constant 0 : i32
    return %arg0, %c0_i32 : i32, i32
  }
  func.func @transform_2(%arg0: i32) -> (i32, i32) {
    %c0_i32 = arith.constant 0 : i32
    %c0_i32_0 = arith.constant 0 : i32
    return %arg0, %c0_i32 : i32, i32
  }
  func.func @transform_3(%arg0: i32) -> (i32, i32) {
    %c0_i32 = arith.constant 0 : i32
    %c0_i32_0 = arith.constant 0 : i32
    return %arg0, %c0_i32 : i32, i32
  }
  func.func @transform_4(%arg0: i32) -> (i32, i32) {
    %c0_i32 = arith.constant 0 : i32
    %c0_i32_0 = arith.constant 0 : i32
    %c0_i32_1 = arith.constant 0 : i32
    return %c0_i32, %c0_i32_0 : i32, i32
  }
  func.func @transform_5(%arg0: i32) -> (i32, i32) {
    %c0_i32 = arith.constant 0 : i32
    %c0_i32_0 = arith.constant 0 : i32
    %c0_i32_1 = arith.constant 0 : i32
    return %c0_i32, %c0_i32_0 : i32, i32
  }
  func.func @transform_6(%arg0: i32) -> (i32, i32) {
    %c0_i32 = arith.constant 0 : i32
    %c0_i32_0 = arith.constant 0 : i32
    %c0_i32_1 = arith.constant 0 : i32
    return %c0_i32, %c0_i32_0 : i32, i32
  }
  func.func @transform_7(%arg0: i32) -> (i32, i32) {
    %c0_i32 = arith.constant 0 : i32
    %c0_i32_0 = arith.constant 0 : i32
    %c0_i32_1 = arith.constant 0 : i32
    return %c0_i32, %c0_i32_0 : i32, i32
  }
  func.func @transform_8(%arg0: i32) -> (i32, i32) {
    %c0_i32 = arith.constant 0 : i32
    %c0_i32_0 = arith.constant 0 : i32
    %c0_i32_1 = arith.constant 0 : i32
    return %c0_i32, %c0_i32_0 : i32, i32
  }
  func.func @transform_9(%arg0: i32) -> (i32, i32) {
    %c0_i32 = arith.constant 0 : i32
    %c0_i32_0 = arith.constant 0 : i32
    %c0_i32_1 = arith.constant 0 : i32
    return %c0_i32, %c0_i32_0 : i32, i32
  }
  func.func @transform_10(%arg0: i32) -> (i32, i32) {
    %c0_i32 = arith.constant 0 : i32
    %c0_i32_0 = arith.constant 0 : i32
    %c0_i32_1 = arith.constant 0 : i32
    return %c0_i32, %c0_i32_0 : i32, i32
  }
  func.func @transform_11(%arg0: i32) -> (i32, i32) {
    %c0_i32 = arith.constant 0 : i32
    %c0_i32_0 = arith.constant 0 : i32
    %c0_i32_1 = arith.constant 0 : i32
    return %c0_i32, %c0_i32_0 : i32, i32
  }
  func.func @transform_12(%arg0: i32) -> (i32, i32) {
    %c0_i32 = arith.constant 0 : i32
    %c0_i32_0 = arith.constant 0 : i32
    %c0_i32_1 = arith.constant 0 : i32
    return %c0_i32, %c0_i32_0 : i32, i32
  }
  func.func @transform_13(%arg0: i32) -> (i32, i32) {
    %c0_i32 = arith.constant 0 : i32
    %c0_i32_0 = arith.constant 0 : i32
    %c0_i32_1 = arith.constant 0 : i32
    return %c0_i32, %c0_i32_0 : i32, i32
  }
  func.func @transform_14(%arg0: i32) -> (i32, i32) {
    %c0_i32 = arith.constant 0 : i32
    %c0_i32_0 = arith.constant 0 : i32
    %c0_i32_1 = arith.constant 0 : i32
    return %c0_i32, %c0_i32_0 : i32, i32
  }
  func.func @transform_15(%arg0: i32) -> (i32, i32) {
    %c0_i32 = arith.constant 0 : i32
    %c0_i32_0 = arith.constant 0 : i32
    %c0_i32_1 = arith.constant 0 : i32
    return %c0_i32, %c0_i32_0 : i32, i32
  }
  func.func @transform_16(%arg0: i32) -> (i32, i32) {
    %c0_i32 = arith.constant 0 : i32
    %c0_i32_0 = arith.constant 0 : i32
    %c0_i32_1 = arith.constant 0 : i32
    return %c0_i32, %c0_i32_0 : i32, i32
  }
  func.func @transform_17(%arg0: i32) -> (i32, i32) {
    %c0_i32 = arith.constant 0 : i32
    %c0_i32_0 = arith.constant 0 : i32
    %c0_i32_1 = arith.constant 0 : i32
    return %c0_i32, %c0_i32_0 : i32, i32
  }
  func.func @transform_18(%arg0: i32) -> (i32, i32) {
    %c0_i32 = arith.constant 0 : i32
    %c0_i32_0 = arith.constant 0 : i32
    %c0_i32_1 = arith.constant 0 : i32
    return %c0_i32, %c0_i32_0 : i32, i32
  }
  func.func @transform_19(%arg0: i32) -> (i32, i32) {
    %c0_i32 = arith.constant 0 : i32
    %c0_i32_0 = arith.constant 0 : i32
    %c0_i32_1 = arith.constant 0 : i32
    return %c0_i32, %c0_i32_0 : i32, i32
  }
  func.func @transform_20(%arg0: i32) -> i32 {
    %c0_i32 = arith.constant 0 : i32
    return %arg0 : i32
  }
}

</mosaic_0001>

<sc_bundles>
// kernel: kernel.4.cloned.1.call-start
scs
__scs_entry_jumppad:
0x0: {  	(pc) =	sbr.rel $0x88, $3  }
0x1: {  	(tag) =	ssettag $0x0;
	lr =	simm.s32 $0x1  }
0x2: {  	[smem:$0x3F8D] =	sst lr;
	_ =	strace $0xD0000000  }
0x3: {  	_ = 	snop  }
0x4: {  	_ = 	snop  }
0x5: {  	_ = 	snop  }
0x6: {  	_ = 	snop  }
0x7: {  	_ = 	snop  }
__scs_overlays_trampoline_lowered:
0x8: {  	[smem:$0x3F9C] =	sst s0  }
0x9: {  	[smem:$0x3F9D] =	sst s1  }
0xa: {  	[smem:$0x3F9E] =	sst s2  }
0xb: {  	[smem:$0x3F9F] =	sst s3  }
0xc: {  	[smem:$0x3FA0] =	sst s4  }
0xd: {  	[smem:$0x3FA1] =	sst s5  }
0xe: {  	[smem:$0x3FA2] =	sst s6  }
0xf: {  	[smem:$0x3FA3] =	sst s7  }
0x10: {  	[smem:$0x3FA4] =	sst s8  }
0x11: {  	[smem:$0x3FA5] =	sst s9;
	s0 =	simm.s32 @!p0 $0x0  }
0x12: {  	s1 =	sld [smem:$0x3F8B];
	s0 =	simm.s32 @p0 $0x1  }
0x13: {  	[smem:$0x3FA6] =	sst s0;
	s0 =	simm.s32 @!p1 $0x0  }
0x14: {  	s2 =	sld [smem:$0x3F8A];
	s0 =	simm.s32 @p1 $0x1  }
0x15: {  	[smem:$0x3FA7] =	sst s0;
	s0 =	simm.s32 @!p2 $0x0  }
0x16: {  	s3 =	sld [smem:$0x3FDB];
	s0 =	simm.s32 @p2 $0x1  }
0x17: {  	s4 =	simm.s32 $0x1BF5;
	[smem:$0x3FA9] =	sst s0  }
0x18: {  	s0 =	sld [smem:$0x3F8C];
	_ =	swait.ge [sflag:s4], $0x0  }
0x19: {  	s7 =	sld [smem:$0x3F8D]  }
0x1a: {  	s8 =	sadd.s32 $0xFFFFE003, lr  }
0x1b: {  	s9 =	sadd.s32 $0xFFFFFEF7, lr;
	s5 =	simm.s32 $0xFFFFFFFF;
	p2 =	slt.u32 s8, $0xFFFFF086  }
0x1c: {  	p1 =	slt.u32 s9, $0xF7A;
	s5 =	simm.s32 @!p2 $0x0  }
0x1d: {  	s5 =	simm.s32 @p1 $0x1;
	p0 =	seq.s32 s7, s2  }
0x1e: {  	s7 =	smul.u32 @!p0 $0xF7A, s2;
	p2 =	seq.s32 @!p0 s5, $0x0  }
0x1f: {  	s9 =	smul.u32 $0xF7A, s1;
	s8 =	simm.s32 @!p0 $0x1BF5;
	p2 =	por !p2, p0  }
0x20: {  	[sflag:s8] =	ssyncset.s32 @!p0 $0xFFFFF086;
	s6 =	sadd.s32 @!p0 s3, s7;
	s7 =	simm.s32 @!p0 $0x108  }
0x21: {  	s3 =	sadd.s32 s3, s9;
	s6 =	sadd.s32 @!p0 $0x88, s6;
	s7 =	simm.s32 @p2 $0x1082  }
0x22: {  	[simem:s7], [sflag:s8] =	dma.local @!p0 [hbm:s6], $0xF7A  }
0x23: {  	s9 =	sor.u32 $0xD0000000, s2;
	s6 =	simm.s32 $0x108;
	_ =	swait.ge @!p0 [sflag:s8], $0x0  }
0x24: {  	s3 =	sadd.s32 $0x88, s3;
	s6 =	simm.s32 @!p1 $0x1082;
	[sflag:s4] =	ssyncset.s32 $0xFFFFF086  }
0x25: {  	[simem:s6], [sflag:s4] =	dma.local [hbm:s3], $0xF7A  }
0x26: {  	[smem:$0x3F8D] =	sst s1;
	(tag) =	ssettag s2;
	_ =	strace s9  }
0x27: {  	s1 =	sld [smem:$0x3F9D]  }
0x28: {  	s2 =	sld [smem:$0x3F9E]  }
0x29: {  	s4 =	sld [smem:$0x3FA0]  }
0x2a: {  	p0 =	seq.s32 s5, $0x0;
	s5 =	sld [smem:$0x3FA1]  }
0x2b: {  	s6 =	sld [smem:$0x3FA2]  }
0x2c: {  	s7 =	sld [smem:$0x3FA3]  }
0x2d: {  	s3 =	simm.s32 $0x108;
	s8 =	sld [smem:$0x3FA4]  }
0x2e: {  	s3 =	simm.s32 @!p0 $0x1082;
	s9 =	sld [smem:$0x3FA5]  }
0x2f: {  	lr =	sadd.s32 s0, s3;
	s0 =	sld [smem:$0x3F9C]  }
0x30: {  	s3 =	sld [smem:$0x3F9F]  }
0x31: {  	[smem:$0x3FA8] =	sst s10  }
0x32: {  	s10 =	sld [smem:$0x3FA6];
	_ =	sdelay $0x3  }
0x33: {  	p0 =	seq.s32 s10, $0x1;
	s10 =	sld [smem:$0x3FA8];
	_ =	sdelay $0x3  }
0x34: {  	[smem:$0x3FA8] =	sst s10  }
0x35: {  	s10 =	sld [smem:$0x3FA7];
	_ =	sdelay $0x3  }
0x36: {  	p1 =	seq.s32 s10, $0x1;
	s10 =	sld [smem:$0x3FA8];
	_ =	sdelay $0x3  }
0x37: {  	[smem:$0x3FA8] =	sst s10  }
0x38: {  	s10 =	sld [smem:$0x3FA9]  }
0x39: {  	_ = 	snop;
	(pc) =	sbr.ind lr, $3  }
0x3a: {  	_ = 	snop  }
0x3b: {  	_ = 	snop  }
0x3c: {  	p2 =	seq.s32 s10, $0x1;
	s10 =	sld [smem:$0x3FA8]  }
0x3d: {  	_ =	shalt  }
0x3e: {  	_ =	shalt  }
0x3f: {  	_ =	shalt  }
0x40: {  	_ =	shalt  }
0x41: {  	_ =	shalt  }
0x42: {  	_ =	shalt  }
0x43: {  	_ =	shalt  }
0x44: {  	_ =	shalt  }
0x45: {  	_ =	shalt  }
0x46: {  	_ =	shalt  }
0x47: {  	_ =	shalt  }
0x48: {  	_ =	shalt  }
0x49: {  	_ =	shalt  }
0x4a: {  	_ =	shalt  }
0x4b: {  	_ =	shalt  }
0x4c: {  	_ =	shalt  }
0x4d: {  	_ =	shalt  }
0x4e: {  	_ =	shalt  }
0x4f: {  	_ =	shalt  }
0x50: {  	_ =	shalt  }
0x51: {  	_ =	shalt  }
0x52: {  	_ =	shalt  }
0x53: {  	_ =	shalt  }
0x54: {  	_ =	shalt  }
0x55: {  	_ =	shalt  }
0x56: {  	_ =	shalt  }
0x57: {  	_ =	shalt  }
0x58: {  	_ =	shalt  }
0x59: {  	_ =	shalt  }
0x5a: {  	_ =	shalt  }
0x5b: {  	_ =	shalt  }
0x5c: {  	_ =	shalt  }
0x5d: {  	_ =	shalt  }
0x5e: {  	_ =	shalt  }
0x5f: {  	_ =	shalt  }
0x60: {  	_ =	shalt  }
0x61: {  	_ =	shalt  }
0x62: {  	_ =	shalt  }
0x63: {  	_ =	shalt  }
0x64: {  	_ =	shalt  }
0x65: {  	_ =	shalt  }
0x66: {  	_ =	shalt  }
0x67: {  	_ =	shalt  }
0x68: {  	_ =	shalt  }
0x69: {  	_ =	shalt  }
0x6a: {  	_ =	shalt  }
0x6b: {  	_ =	shalt  }
0x6c: {  	_ =	shalt  }
0x6d: {  	_ =	shalt  }
0x6e: {  	_ =	shalt  }
0x6f: {  	_ =	shalt  }
0x70: {  	_ =	shalt  }
0x71: {  	_ =	shalt  }
0x72: {  	_ =	shalt  }
0x73: {  	_ =	shalt  }
0x74: {  	_ =	shalt  }
0x75: {  	_ =	shalt  }
0x76: {  	_ =	shalt  }
0x77: {  	_ =	shalt  }
0x78: {  	_ =	shalt  }
0x79: {  	_ =	shalt  }
0x7a: {  	_ =	shalt  }
0x7b: {  	_ =	shalt  }
0x7c: {  	_ =	shalt  }
0x7d: {  	_ =	shalt  }
0x7e: {  	_ =	shalt  }
0x7f: {  	_ =	shalt  }
0x80: {  	_ =	shalt  }
0x81: {  	_ =	shalt  }
0x82: {  	_ =	shalt  }
0x83: {  	_ =	shalt  }
0x84: {  	_ =	shalt  }
0x85: {  	_ =	shalt  }
0x86: {  	_ =	shalt  }
0x87: {  	_ =	shalt  }
.Lfunc_end0:
.L_simem_size_0:
called_computation_lowered:
.L_overlay_start_0:
0x88: {  	s2 =	sld [smem:$0x3FD9]  }
0x89: {  	s3 =	sld [smem:$0x3FFE];
	_ =	sdelay $0x1  }
0x8a: {  	s1 =	srdreg.scid  }
0x8b: {  	s0 =	sand.u32 $0x1, s1  }
0x8c: {  	s17 =	sshll.u32 s0, $0xA;
	s2 =	sadd.s32 s3, s2  }
0x8d: {  	s2 =	sadd.s32 s2, s17  }
0x8e: {  	[smem:$0x3FB4] =	sst s2  }
0x8f: {  	_ = 	snop  }
0x90: {  	s2 =	sld [smem:$0x3FC9]  }
0x91: {  	s18 =	sld [smem:$0x3FC8];
	(tm) =	ssettm $0x1  }
0x92: {  	s4 =	sld [smem:$0x3FFB];
	_ =	sdelay $0x3  }
0x93: {  	_ =	strace s4  }
0x94: {  	s4 =	sld [smem:$0x3FFC];
	_ =	sdelay $0x3  }
0x95: {  	_ =	strace s4  }
0x96: {  	s4 =	sld [smem:$0x3FFD];
	_ =	sdelay $0x3  }
0x97: {  	_ =	strace s4  }
0x98: {  	_ =	strace $0x8FFFFFFF  }
0x99: {  	s19 =	sld [smem:$0x3FDB];
	_ =	sdelay $0x1  }
0x9a: {  	s5 =	simm.s32 $_scs_section_size  }
0x9b: {  	s6 =	simm.s32 $_size__tile_overlayer_lowered;
	s7 =	simm.s32 $_tile_overlayer_lowered  }
0x9c: {  	s22 =	simm.s32 $0x1BFF;
	s21 =	sshll.u32 s7, $0x1;
	s4 =	sadd.s32 s5, s19  }
0x9d: {  	s8 =	simm.s32 $0x0;
	s20 =	sshll.u32 s6, $0x1;
	s6 =	sadd.s32 s21, s4  }
0x9e: {  	[timem:s8], [sflag:s22] =	dma.local [hbm:s6], s20  }
0x9f: {  	_ =	swait.ge [sflag:s22], s20  }
0xa0: {  	s5 =	ssub.s32 $0x0, s20;
	[sflag:s22] =	ssyncset.done $0x0  }
0xa1: {  	[sflag:s22] =	ssyncadd.s32 s5;
	_ =	sdelay $0x1  }
0xa2: {  	s23 =	simm.s32 $0x1B8B  }
0xa3: {  	_ =	swait.ge [sflag:s23], $0x1  }
0xa4: {  	[sflag:s23] =	ssyncset.done $0x0  }
0xa5: {  	s25 =	simm.s32 $0x1B8E;
	s24 =	sld [smem:$0x3FFE];
	[sflag:s23] =	ssyncadd.s32 $0xFFFFFFFF  }
0xa6: {  	s26 =	simm.s32 $execute0_lowered;
	[smem:$0x3FD2] =	sst s25  }
0xa7: {  	s6 =	sshll.u32 s26, $0x1;
	_ =	strace $0x80000046;
	[dreg:$0x1] =	wrdreg $0xFFFFFFFF  }
0xa8: {  	s28 =	simm.s32 $_size_execute0_lowered;
	s4 =	sadd.s32 s4, s6;
	[dreg:$0x0] =	wrdreg $0x0  }
0xa9: {  	s6 =	sshll.u32 s28, $0x1;
	[dreg:$0x2] =	wrdreg s4  }
0xaa: {  	[dreg:$0x3] =	wrdreg s6  }
0xab: {  	[dreg:$0x4] =	wrdreg $0xC0  }
0xac: {  	_ =	task [dreg:s8], $0x5FFFF  }
0xad: {  	[dreg:$0x1] =	wrdreg $0xFFFFFFFF  }
0xae: {  	[dreg:$0x0] =	wrdreg $0x60  }
0xaf: {  	[dreg:$0x2] =	wrdreg s24  }
0xb0: {  	[dreg:$0x3] =	wrdreg s2  }
0xb1: {  	[dreg:$0x4] =	wrdreg s18  }
0xb2: {  	[dreg:$0x5] =	wrdreg $0x9  }
0xb3: {  	_ =	task.clear_ibuf [dreg:s8], $0x6FFFF;
	_ =	strace $0x90000046  }
0xb4: {  	s29 =	simm.s32 $0x9;
	_ =	strace $0x80000048  }
0xb5: {  	_ =	swait.ge [sflag:s29], $0x1  }
0xb6: {  	[sflag:s29] =	ssyncadd.s32 $0xFFFFFFFF  }
0xb7: {  	_ =	strace $0x90000048  }
0xb8: {  	_ =	sfence  }
0xb9: {  	s30 =	sld [smem:$0x0];
	_ =	sdelay $0x2  }
0xba: {  	s31 =	sshll.u32 s1, $0xD;
	s1 =	sshrl.u32 s1, $0x2  }
0xbb: {  	s3 =	sand.u32 $0x4000, s31;
	s1 =	sadd.s32 s1, s30  }
0xbc: {  	s0 =	sor.u32 s3, s0;
	s1 =	sshll.u32 s1, $0x11  }
0xbd: {  	s0 =	sor.u32 s1, s0  }
0xbe: {  	s0 =	sadd.s32 $0x8F2B, s0  }
0xbf: {  	[sflag:s0] =	ssyncadd.remote.s32 $0x1  }
0xc0: {  	_ =	sfence.sel $0xFFFF  }
0xc1: {  	[dreg:$0x0] =	wrdreg $0xFFFFFFFF;
	(pc) =	sbr.abs _section_cstart, $3  }
0xc2: {  	[dreg:$0x1] =	wrdreg $0xFFFFFFFF  }
0xc3: {  	_ =	task.clear_ibuf [dreg:s8], $0x2FFFF;
	_ =	strace $0x9FFFFFFF  }
0xc4: {  	(tm) =	ssettm $0x7FFFFFFF  }
0xc5: {  	_ =	shalt  }
tec
execute0_lowered:
.L_overlay_start_1:
0x0: {  	(tag) =	ssettag $0x1  }
0x1: {  	s0 =	rddreg [dreg:$0x0]  }
0x2: {  	s1 =	rddreg [dreg:$0x1]  }
0x3: {  	s2 =	rddreg [dreg:$0x2];
	s3 =	simm.s32 $0x0;
	s6 =	srdreg.scid  }
0x4: {  	s24 =	stileid.u32;
	[smem:$0x7FF] =	sst s3;
	s23 =	sadd.s32 $0x2C00, s0  }
0x5: {  	s21 =	sadd.s32 $0x189600, s0;
	s22 =	sadd.s32 $0x310000, s0;
	s7 =	sand.u32 $0x1, s6  }
0x6: {  	s8 =	sshll.u32 s24, $0xE;
	_ =	strace $0x80000047;
	[dreg:$0x9] =	wrdreg s21  }
0x7: {  	s31 =	sshll.u32 s24, $0x6;
	[dreg:$0xa] =	wrdreg s22;
	s22 =	sadd.s32 $0x496A00, s0  }
0x8: {  	s0 =	sadd.s32 s8, s0;
	s10 =	sshll.u32 s7, $0xD;
	[smem:$0x7FC] =	sst s31  }
0x9: {  	s11 =	sshll.u32 s24, $0xA;
	[dreg:$0x8] =	wrdreg s23;
	s0 =	sadd.s32 s10, s0  }
0xa: {  	s9 =	ssub.s32 $0x2, s7;
	[dreg:$0xb] =	wrdreg s22;
	s26 =	sadd.s32 $0x61D400, s0  }
0xb: {  	s7 =	sshll.u32 s7, $0x9;
	s28 =	sadd.s32 $0x65D400, s0;
	[dreg:$0x4] =	wrdreg s26  }
0xc: {  	s7 =	sor.u32 s7, s11;
	s29 =	sadd.s32 $0x69D400, s0;
	[dreg:$0x5] =	wrdreg s28  }
0xd: {  	s7 =	sshrl.u32 s7, $0x3;
	s0 =	sadd.s32 $0x6DD400, s0;
	[dreg:$0x6] =	wrdreg s29  }
0xe: {  	s25 =	sshrl.u32 s9, $0x1;
	s1 =	sadd.s32 s1, s7;
	[dreg:$0x7] =	wrdreg s0  }
0xf: {  	s8 =	ssub.s32 s9, s25;
	s2 =	sadd.s32 s2, s7;
	[smem:$0x7F9] =	sst s1  }
0x10: {  	s30 =	smax.u32 s8, $0x1;
	[smem:$0x7FA] =	sst s2  }
0x11: {  	s0 =	sor.u32 $0x1C02, s31;
	[smem:$0x7FB] =	sst s30  }
0x12: {  	s30 =	sor.u32 $0x1C01, s31;
	[smem:$0x7FD] =	sst s0  }
0x13: {  	s2 =	simm.s32 $0x0;
	[dreg:$0xc] =	wrdreg s30  }
.LBB2_1:
0x14: {  	s1 =	sld [smem:$0x7F9];
	_ =	sdelay $0x1  }
0x15: {  	[smem:$0x7F8] =	sst s2;
	s0 =	simm.s32 $0x0;
	s29 =	simm.s32 $0x5  }
0x16: {  	[tilespmem:s0], [sflag:$0x5] =	stream.linear.gather [hbm4b:s1+s0], $0x200, $0x38;
	[tilespmem:$0x400] =	vst v63  }
0x17: {  	_ =	swait.ge [sflag:s29], $0x200  }
0x18: {  	s30 =	sld [smem:$0x7FA]  }
0x19: {  	[sflag:s29] =	ssyncset.done $0x0  }
0x1a: {  	s3 =	simm.s32 $0x200;
	[sflag:s29] =	ssyncadd.s32 $0xFFFFFE00  }
0x1b: {  	[tilespmem:s3], [sflag:$0x5] =	stream.linear.gather [hbm4b:s30+s0], $0x200, $0x38;
	[tilespmem:$0x400] =	vst v63  }
0x1c: {  	_ =	swait.ge [sflag:s29], $0x200  }
0x1d: {  	[sflag:s29] =	ssyncset.done $0x0  }
0x1e: {  	[sflag:s29] =	ssyncadd.s32 $0xFFFFFE00  }
0x1f: {  	v0 =	vld [tilespmem:s0+$0x0];
	_ =	sdelay $0x4  }
0x20: {  	v0 =	vshll.u32 v0, $0x4  }
0x21: {  	(v2sf) =	vpush v0, $0xF  }
0x22: {  	(v2sf) =	vpush v0, $0xD  }
0x23: {  	(v2sf) =	vpush v0, $0x4  }
0x24: {  	(v2sf) =	vpush v0, $0x5  }
0x25: {  	(v2sf) =	vpush v0, $0x2  }
0x26: {  	(v2sf) =	vpush v0, $0x0  }
0x27: {  	(v2sf) =	vpush v0, $0x9  }
0x28: {  	s31 =	rddreg [dreg:$0x4];
	(v2sf) =	vpush v0, $0xE  }
0x29: {  	s20 =	sadd.s32 $0x0, s31;
	(v2sf) =	vpush v0, $0xA  }
0x2a: {  	s21 =	simm.s32 $0x100;
	s22 =	simm.s32 $0x10;
	s12 =	sadd.s32 $0x10, s20;
	(v2sf) =	vpush v0, $0xB  }
.LBB2_2:
0x2b: {  	(v2sf) =	vpush v0, $0x1  }
0x2c: {  	(v2sf) =	vpush v0, $0xC  }
0x2d: {  	s25 =	sadd.s32 $0x50, s20;
	s0 =	sadd.s32 $0x80, s20;
	(v2sf) =	vpush v0, $0x7  }
0x2e: {  	s17 =	sadd.s32 $0xC0, s20;
	s18 =	smov.u32 s21;
	s26 =	sadd.s32 $0x60, s20;
	(v2sf) =	vpush v0, $0x3  }
0x2f: {  	s19 =	sadd.s32 $0xD0, s20;
	s7 =	sadd.s32 $0x40, s20;
	[dreg:$0x17] =	wrdreg s0;
	(v2sf) =	vpush v0, $0x6  }
0x30: {  	s24 =	sadd.s32 $0x90, s20;
	[dreg:$0x10] =	wrdreg s17;
	(v2sf) =	vpush v0, $0x8;
	s8 =	spop (v2sf)  }
0x31: {  	s10 =	sadd.s32 $0x30, s20;
	[dreg:$0xd] =	wrdreg s18;
	s28 =	spop (v2sf)  }
0x32: {  	s5 =	sadd.s32 $0xA0, s20;
	[dreg:$0x14] =	wrdreg s19;
	s29 =	spop (v2sf)  }
0x33: {  	s13 =	sadd.s32 $0xB0, s20;
	[dreg:$0x19] =	wrdreg s24;
	s9 =	spop (v2sf)  }
0x34: {  	s24 =	rddreg [dreg:$0x8];
	s11 =	sand.u32 $0x1FFFFFF0, s8;
	s31 =	spop (v2sf)  }
0x35: {  	s16 =	sand.u32 $0x1FFFFFF0, s28;
	s19 =	sand.u32 $0x1FFFFFF0, s29;
	s15 =	spop (v2sf)  }
0x36: {  	s28 =	sand.u32 $0x1FFFFFF0, s9;
	s19 =	sadd.s32 s23, s19;
	s0 =	spop (v2sf)  }
0x37: {  	s29 =	sand.u32 $0x1FFFFFF0, s31;
	s28 =	sadd.s32 s23, s28;
	s31 =	spop (v2sf)  }
0x38: {  	s30 =	sand.u32 $0x1FFFFFF0, s15;
	s15 =	sadd.s32 s23, s11;
	s3 =	spop (v2sf)  }
0x39: {  	s29 =	sadd.s32 s24, s29;
	s30 =	sadd.s32 s23, s30;
	s4 =	spop (v2sf)  }
0x3a: {  	s11 =	sand.u32 $0x1FFFFFF0, s0;
	s3 =	sand.u32 $0x1FFFFFF0, s3;
	s6 =	spop (v2sf)  }
0x3b: {  	s11 =	sadd.s32 s23, s11;
	s3 =	sadd.s32 s23, s3;
	s14 =	spop (v2sf)  }
0x3c: {  	s4 =	sand.u32 $0x1FFFFFF0, s4;
	s6 =	sand.u32 $0x1FFFFFF0, s6;
	s1 =	spop (v2sf)  }
0x3d: {  	s6 =	sadd.s32 s23, s6;
	s0 =	sand.u32 $0x1FFFFFF0, s1;
	s2 =	spop (v2sf)  }
0x3e: {  	s1 =	rddreg [dreg:$0x8];
	s23 =	sand.u32 $0x1FFFFFF0, s2;
	s2 =	spop (v2sf)  }
0x3f: {  	s24 =	rddreg [dreg:$0xc];
	s4 =	sadd.s32 s1, s4;
	s1 =	spop (v2sf)  }
0x40: {  	[hbm:s20], [sflag:s24] =	dma.local [hbm:s30], $0x10  }
0x41: {  	s17 =	sadd.s32 $0x20, s20;
	s18 =	sadd.s32 $0x70, s20;
	s30 =	rddreg [dreg:$0xc]  }
0x42: {  	s8 =	sadd.s32 $0xF0, s20;
	s9 =	sadd.s32 $0xE0, s20;
	s20 =	rddreg [dreg:$0x8]  }
0x43: {  	s2 =	sand.u32 $0x1FFFFFF0, s2;
	s20 =	sadd.s32 s20, s23;
	s23 =	rddreg [dreg:$0x8]  }
0x44: {  	[hbm:s12], [sflag:s30] =	dma.local [hbm:s6], $0x10  }
0x45: {  	[hbm:s17], [sflag:s30] =	dma.local [hbm:s29], $0x10  }
0x46: {  	[hbm:s10], [sflag:s30] =	dma.local [hbm:s20], $0x10  }
0x47: {  	[hbm:s7], [sflag:s30] =	dma.local [hbm:s19], $0x10  }
0x48: {  	s2 =	sadd.s32 s23, s2;
	s0 =	sadd.s32 s23, s0;
	s19 =	sand.u32 $0x1FFFFFF0, s1  }
0x49: {  	[hbm:s25], [sflag:s30] =	dma.local [hbm:s28], $0x10  }
0x4a: {  	[hbm:s26], [sflag:s30] =	dma.local [hbm:s2], $0x10  }
0x4b: {  	[hbm:s18], [sflag:s30] =	dma.local [hbm:s0], $0x10  }
0x4c: {  	s0 =	sadd.s32 s23, s19;
	s26 =	rddreg [dreg:$0x17]  }
0x4d: {  	[hbm:s26], [sflag:s30] =	dma.local [hbm:s0], $0x10  }
0x4e: {  	s20 =	sand.u32 $0x1FFFFFF0, s14;
	s0 =	rddreg [dreg:$0x19]  }
0x4f: {  	[hbm:s0], [sflag:s30] =	dma.local [hbm:s11], $0x10  }
0x50: {  	[hbm:s5], [sflag:s30] =	dma.local [hbm:s3], $0x10  }
0x51: {  	[hbm:s13], [sflag:s30] =	dma.local [hbm:s4], $0x10  }
0x52: {  	s31 =	sand.u32 $0x1FFFFFF0, s31;
	s1 =	sadd.s32 s23, s20;
	s28 =	rddreg [dreg:$0x10]  }
0x53: {  	[hbm:s28], [sflag:s30] =	dma.local [hbm:s1], $0x10  }
0x54: {  	s24 =	sadd.s32 s23, s16;
	s25 =	sadd.s32 s23, s31;
	s0 =	rddreg [dreg:$0x14]  }
0x55: {  	[hbm:s0], [sflag:s30] =	dma.local [hbm:s24], $0x10  }
0x56: {  	[hbm:s9], [sflag:s30] =	dma.local [hbm:s25], $0x10  }
0x57: {  	[hbm:s8], [sflag:s30] =	dma.local [hbm:s15], $0x10  }
0x58: {  	v0 =	vld [tilespmem:s22+$0x0];
	_ =	sdelay $0x4  }
0x59: {  	v0 =	vshll.u32 v0, $0x4  }
0x5a: {  	(v2sf) =	vpush v0, $0xF  }
0x5b: {  	(v2sf) =	vpush v0, $0xD  }
0x5c: {  	(v2sf) =	vpush v0, $0x4  }
0x5d: {  	(v2sf) =	vpush v0, $0x5  }
0x5e: {  	p0 =	sne.s32 s21, $0x1F00;
	(v2sf) =	vpush v0, $0x2  }
.Ltmp0:
0x5f: {  	(v2sf) =	vpush v0, $0x0;
	(pc) =	sbr.rel @p0 .LBB2_2-.Ltmp0, $4  }
0x60: {  	s29 =	rddreg [dreg:$0x4];
	(v2sf) =	vpush v0, $0x9  }
0x61: {  	s31 =	rddreg [dreg:$0xd];
	(v2sf) =	vpush v0, $0xE  }
0x62: {  	s21 =	sadd.s32 $0x100, s21;
	s20 =	sadd.s32 s31, s29;
	(v2sf) =	vpush v0, $0xA  }
0x63: {  	s0 =	simm.s32 $0x0;
	s22 =	sadd.s32 $0x10, s22;
	s12 =	sadd.s32 $0x10, s20;
	(v2sf) =	vpush v0, $0xB  }
0x64: {  	(v2sf) =	vpush v0, $0x1  }
0x65: {  	(v2sf) =	vpush v0, $0xC  }
0x66: {  	(v2sf) =	vpush v0, $0x7  }
0x67: {  	(v2sf) =	vpush v0, $0x3  }
0x68: {  	(v2sf) =	vpush v0, $0x6  }
0x69: {  	(v2sf) =	vpush v0, $0x8;
	s1 =	spop (v2sf)  }
0x6a: {  	s7 =	spop (v2sf)  }
0x6b: {  	s2 =	spop (v2sf)  }
0x6c: {  	s3 =	spop (v2sf)  }
0x6d: {  	s4 =	spop (v2sf)  }
0x6e: {  	s5 =	spop (v2sf)  }
0x6f: {  	s6 =	spop (v2sf)  }
0x70: {  	s8 =	spop (v2sf)  }
0x71: {  	s9 =	spop (v2sf)  }
0x72: {  	s10 =	spop (v2sf)  }
0x73: {  	s11 =	spop (v2sf)  }
0x74: {  	s19 =	sadd.s32 $0x20, s20;
	s22 =	sadd.s32 $0x30, s20;
	s13 =	spop (v2sf)  }
0x75: {  	s24 =	sadd.s32 $0x40, s20;
	s26 =	sadd.s32 $0x50, s20;
	s14 =	spop (v2sf)  }
0x76: {  	s31 =	sadd.s32 $0x60, s20;
	s2 =	sand.u32 $0x1FFFFFF0, s2;
	s15 =	spop (v2sf)  }
0x77: {  	s4 =	sand.u32 $0x1FFFFFF0, s4;
	s5 =	sand.u32 $0x1FFFFFF0, s5;
	s16 =	spop (v2sf)  }
0x78: {  	s5 =	sadd.s32 s23, s5;
	s18 =	sand.u32 $0x1FFFFFF0, s11;
	s17 =	spop (v2sf)  }
0x79: {  	[hbm:s20], [sflag:s30] =	dma.local [hbm:s5], $0x10  }
0x7a: {  	s4 =	sadd.s32 s23, s4;
	s21 =	sand.u32 $0x1FFFFFF0, s15;
	s5 =	sadd.s32 s23, s18  }
0x7b: {  	[hbm:s12], [sflag:s30] =	dma.local [hbm:s5], $0x10  }
0x7c: {  	[hbm:s19], [sflag:s30] =	dma.local [hbm:s4], $0x10  }
0x7d: {  	s2 =	sadd.s32 s23, s2;
	s25 =	sand.u32 $0x1FFFFFF0, s3;
	s4 =	sadd.s32 s23, s21  }
0x7e: {  	[hbm:s22], [sflag:s30] =	dma.local [hbm:s4], $0x10  }
0x7f: {  	[hbm:s24], [sflag:s30] =	dma.local [hbm:s2], $0x10  }
0x80: {  	s1 =	sand.u32 $0x1FFFFFF0, s1;
	s28 =	sand.u32 $0x1FFFFFF0, s16;
	s2 =	sadd.s32 s23, s25  }
0x81: {  	[hbm:s26], [sflag:s30] =	dma.local [hbm:s2], $0x10  }
0x82: {  	s1 =	sadd.s32 s23, s1;
	s3 =	sand.u32 $0x1FFFFFF0, s14;
	s2 =	sadd.s32 s23, s28  }
0x83: {  	[hbm:s31], [sflag:s30] =	dma.local [hbm:s2], $0x10  }
0x84: {  	s5 =	sand.u32 $0x1FFFFFF0, s17;
	s4 =	sadd.s32 $0x70, s20;
	s2 =	sadd.s32 s23, s3  }
0x85: {  	[hbm:s4], [sflag:s30] =	dma.local [hbm:s2], $0x10  }
0x86: {  	s11 =	sadd.s32 $0x80, s20;
	s12 =	sand.u32 $0x1FFFFFF0, s6;
	s2 =	sadd.s32 s23, s5  }
0x87: {  	[hbm:s11], [sflag:s30] =	dma.local [hbm:s2], $0x10  }
0x88: {  	s14 =	sadd.s32 $0x90, s20;
	s15 =	sand.u32 $0x1FFFFFF0, s9;
	s2 =	sadd.s32 s23, s12  }
0x89: {  	[hbm:s14], [sflag:s30] =	dma.local [hbm:s2], $0x10  }
0x8a: {  	s16 =	sadd.s32 $0xA0, s20;
	s17 =	sand.u32 $0x1FFFFFF0, s10;
	s2 =	sadd.s32 s23, s15  }
0x8b: {  	[hbm:s16], [sflag:s30] =	dma.local [hbm:s2], $0x10  }
0x8c: {  	s18 =	sadd.s32 $0xB0, s20;
	s19 =	sand.u32 $0x1FFFFFF0, s13;
	s2 =	sadd.s32 s23, s17  }
0x8d: {  	[hbm:s18], [sflag:s30] =	dma.local [hbm:s2], $0x10  }
0x8e: {  	s21 =	sadd.s32 $0xC0, s20;
	s22 =	sand.u32 $0x1FFFFFF0, s7;
	s2 =	sadd.s32 s23, s19  }
0x8f: {  	[hbm:s21], [sflag:s30] =	dma.local [hbm:s2], $0x10  }
0x90: {  	s24 =	sadd.s32 $0xD0, s20;
	s25 =	sand.u32 $0x1FFFFFF0, s8;
	s2 =	sadd.s32 s23, s22  }
0x91: {  	[hbm:s24], [sflag:s30] =	dma.local [hbm:s2], $0x10  }
0x92: {  	s26 =	sadd.s32 $0xE0, s20;
	s28 =	sadd.s32 $0xF0, s20;
	s2 =	sadd.s32 s23, s25  }
0x93: {  	[hbm:s26], [sflag:s30] =	dma.local [hbm:s2], $0x10  }
0x94: {  	[hbm:s28], [sflag:s30] =	dma.local [hbm:s1], $0x10  }
0x95: {  	v0 =	vld [tilespmem:s0+$0x0];
	_ =	sdelay $0x4  }
0x96: {  	v0 =	vshll.u32 v0, $0x4  }
0x97: {  	(v2sf) =	vpush v0, $0xF  }
0x98: {  	(v2sf) =	vpush v0, $0xD  }
0x99: {  	(v2sf) =	vpush v0, $0x4  }
0x9a: {  	(v2sf) =	vpush v0, $0x5  }
0x9b: {  	(v2sf) =	vpush v0, $0x2  }
0x9c: {  	(v2sf) =	vpush v0, $0x0  }
0x9d: {  	(v2sf) =	vpush v0, $0x9  }
0x9e: {  	s31 =	rddreg [dreg:$0x5];
	(v2sf) =	vpush v0, $0xE  }
0x9f: {  	s20 =	simm.s32 $0x100;
	s29 =	rddreg [dreg:$0x9];
	s23 =	sadd.s32 $0x0, s31;
	(v2sf) =	vpush v0, $0xA  }
0xa0: {  	s22 =	simm.s32 $0x10;
	s24 =	sld [smem:$0x7FD];
	s12 =	sadd.s32 $0x10, s23;
	(v2sf) =	vpush v0, $0xB  }
.LBB2_4:
0xa1: {  	(v2sf) =	vpush v0, $0x1  }
0xa2: {  	(v2sf) =	vpush v0, $0xC  }
0xa3: {  	s25 =	sadd.s32 $0x50, s23;
	s0 =	sadd.s32 $0x80, s23;
	(v2sf) =	vpush v0, $0x7  }
0xa4: {  	s14 =	sadd.s32 $0xC0, s23;
	s15 =	smov.u32 s20;
	s26 =	sadd.s32 $0x60, s23;
	(v2sf) =	vpush v0, $0x3  }
0xa5: {  	s16 =	sadd.s32 $0xD0, s23;
	s7 =	sadd.s32 $0x40, s23;
	s17 =	sadd.s32 $0x90, s23;
	(v2sf) =	vpush v0, $0x6  }
0xa6: {  	s10 =	sadd.s32 $0x30, s23;
	s1 =	rddreg [dreg:$0x9];
	(v2sf) =	vpush v0, $0x8;
	s3 =	spop (v2sf)  }
0xa7: {  	s8 =	sadd.s32 $0xF0, s23;
	s2 =	rddreg [dreg:$0x9];
	s4 =	spop (v2sf)  }
0xa8: {  	s9 =	sadd.s32 $0xE0, s23;
	[dreg:$0x11] =	wrdreg s14;
	s18 =	spop (v2sf)  }
0xa9: {  	s28 =	sadd.s32 $0xA0, s23;
	[dreg:$0xe] =	wrdreg s15;
	s5 =	spop (v2sf)  }
0xaa: {  	[dreg:$0x15] =	wrdreg s16;
	s3 =	sand.u32 $0x1FFFFFF0, s3;
	s6 =	spop (v2sf)  }
0xab: {  	s16 =	sand.u32 $0x1FFFFFF0, s4;
	s15 =	sadd.s32 s29, s3;
	s11 =	spop (v2sf)  }
0xac: {  	s4 =	sand.u32 $0x1FFFFFF0, s18;
	s5 =	sand.u32 $0x1FFFFFF0, s5;
	s19 =	spop (v2sf)  }
0xad: {  	s4 =	sadd.s32 s29, s4;
	s11 =	sand.u32 $0x1FFFFFF0, s11;
	s13 =	spop (v2sf)  }
0xae: {  	s5 =	sadd.s32 s29, s5;
	s11 =	sadd.s32 s29, s11;
	s14 =	spop (v2sf)  }
0xaf: {  	s3 =	sand.u32 $0x1FFFFFF0, s19;
	s14 =	sand.u32 $0x1FFFFFF0, s14;
	s19 =	spop (v2sf)  }
0xb0: {  	s3 =	sadd.s32 s29, s3;
	s14 =	sadd.s32 s29, s14;
	s29 =	spop (v2sf)  }
0xb1: {  	[dreg:$0x18] =	wrdreg s0;
	s6 =	sand.u32 $0x1FFFFFF0, s6;
	s31 =	spop (v2sf)  }
0xb2: {  	s19 =	sand.u32 $0x1FFFFFF0, s19;
	s29 =	sand.u32 $0x1FFFFFF0, s29;
	s21 =	spop (v2sf)  }
0xb3: {  	s19 =	sadd.s32 s2, s19;
	s0 =	sand.u32 $0x1FFFFFF0, s21;
	s21 =	spop (v2sf)  }
0xb4: {  	s29 =	sadd.s32 s1, s29;
	s1 =	rddreg [dreg:$0x9];
	s2 =	spop (v2sf)  }
0xb5: {  	[dreg:$0x1a] =	wrdreg s17;
	s6 =	sadd.s32 s1, s6;
	s1 =	spop (v2sf)  }
0xb6: {  	[hbm:s23], [sflag:s24] =	dma.local [hbm:s11], $0x10  }
0xb7: {  	s30 =	sadd.s32 $0xB0, s23;
	s17 =	sadd.s32 $0x20, s23;
	s11 =	rddreg [dreg:$0x9]  }
0xb8: {  	s18 =	sadd.s32 $0x70, s23;
	s2 =	sand.u32 $0x1FFFFFF0, s2;
	s23 =	rddreg [dreg:$0x9]  }
0xb9: {  	s21 =	sand.u32 $0x1FFFFFF0, s21;
	s2 =	sadd.s32 s23, s2;
	s23 =	rddreg [dreg:$0x9]  }
0xba: {  	[hbm:s12], [sflag:s24] =	dma.local [hbm:s29], $0x10  }
0xbb: {  	s11 =	sadd.s32 s11, s21;
	s0 =	sadd.s32 s23, s0;
	s29 =	rddreg [dreg:$0x9]  }
0xbc: {  	[hbm:s17], [sflag:s24] =	dma.local [hbm:s6], $0x10  }
0xbd: {  	[hbm:s10], [sflag:s24] =	dma.local [hbm:s11], $0x10  }
0xbe: {  	[hbm:s7], [sflag:s24] =	dma.local [hbm:s4], $0x10  }
0xbf: {  	[hbm:s25], [sflag:s24] =	dma.local [hbm:s5], $0x10  }
0xc0: {  	[hbm:s26], [sflag:s24] =	dma.local [hbm:s2], $0x10  }
0xc1: {  	[hbm:s18], [sflag:s24] =	dma.local [hbm:s0], $0x10  }
0xc2: {  	s18 =	sand.u32 $0x1FFFFFF0, s1  }
0xc3: {  	s0 =	sadd.s32 s29, s18;
	s26 =	rddreg [dreg:$0x18]  }
0xc4: {  	[hbm:s26], [sflag:s24] =	dma.local [hbm:s0], $0x10  }
0xc5: {  	s21 =	sand.u32 $0x1FFFFFF0, s31;
	s0 =	rddreg [dreg:$0x1a]  }
0xc6: {  	[hbm:s0], [sflag:s24] =	dma.local [hbm:s3], $0x10  }
0xc7: {  	[hbm:s28], [sflag:s24] =	dma.local [hbm:s14], $0x10  }
0xc8: {  	[hbm:s30], [sflag:s24] =	dma.local [hbm:s19], $0x10  }
0xc9: {  	s13 =	sand.u32 $0x1FFFFFF0, s13;
	s1 =	sadd.s32 s29, s21;
	s28 =	rddreg [dreg:$0x11]  }
0xca: {  	[hbm:s28], [sflag:s24] =	dma.local [hbm:s1], $0x10  }
0xcb: {  	s23 =	sadd.s32 s29, s16;
	s25 =	sadd.s32 s29, s13;
	s0 =	rddreg [dreg:$0x15]  }
0xcc: {  	[hbm:s0], [sflag:s24] =	dma.local [hbm:s23], $0x10  }
0xcd: {  	[hbm:s9], [sflag:s24] =	dma.local [hbm:s25], $0x10  }
0xce: {  	[hbm:s8], [sflag:s24] =	dma.local [hbm:s15], $0x10  }
0xcf: {  	v0 =	vld [tilespmem:s22+$0x0];
	_ =	sdelay $0x4  }
0xd0: {  	v0 =	vshll.u32 v0, $0x4  }
0xd1: {  	(v2sf) =	vpush v0, $0xF  }
0xd2: {  	(v2sf) =	vpush v0, $0xD  }
0xd3: {  	(v2sf) =	vpush v0, $0x4  }
0xd4: {  	(v2sf) =	vpush v0, $0x5  }
0xd5: {  	p0 =	sne.s32 s20, $0x1F00;
	(v2sf) =	vpush v0, $0x2  }
.Ltmp1:
0xd6: {  	(v2sf) =	vpush v0, $0x0;
	(pc) =	sbr.rel @p0 .LBB2_4-.Ltmp1, $4  }
0xd7: {  	s30 =	rddreg [dreg:$0x5];
	(v2sf) =	vpush v0, $0x9  }
0xd8: {  	s31 =	rddreg [dreg:$0xe];
	(v2sf) =	vpush v0, $0xE  }
0xd9: {  	s20 =	sadd.s32 $0x100, s20;
	s23 =	sadd.s32 s31, s30;
	(v2sf) =	vpush v0, $0xA  }
0xda: {  	s25 =	simm.s32 $0x200;
	s22 =	sadd.s32 $0x10, s22;
	s12 =	sadd.s32 $0x10, s23;
	(v2sf) =	vpush v0, $0xB  }
0xdb: {  	(v2sf) =	vpush v0, $0x1  }
0xdc: {  	(v2sf) =	vpush v0, $0xC  }
0xdd: {  	(v2sf) =	vpush v0, $0x7  }
0xde: {  	(v2sf) =	vpush v0, $0x3  }
0xdf: {  	(v2sf) =	vpush v0, $0x6  }
0xe0: {  	(v2sf) =	vpush v0, $0x8;
	s0 =	spop (v2sf)  }
0xe1: {  	s1 =	spop (v2sf)  }
0xe2: {  	s13 =	sadd.s32 $0x50, s23;
	s15 =	sadd.s32 $0x80, s23;
	s2 =	spop (v2sf)  }
0xe3: {  	s16 =	sadd.s32 $0xC0, s23;
	s18 =	sadd.s32 $0x60, s23;
	s3 =	spop (v2sf)  }
0xe4: {  	s21 =	sadd.s32 $0x20, s23;
	s26 =	sadd.s32 $0x30, s23;
	s4 =	spop (v2sf)  }
0xe5: {  	s0 =	sand.u32 $0x1FFFFFF0, s0;
	s1 =	sand.u32 $0x1FFFFFF0, s1;
	s5 =	spop (v2sf)  }
0xe6: {  	s0 =	sadd.s32 s29, s0;
	s2 =	sand.u32 $0x1FFFFFF0, s2;
	s6 =	spop (v2sf)  }
0xe7: {  	s1 =	sadd.s32 s29, s1;
	s2 =	sadd.s32 s29, s2;
	s7 =	spop (v2sf)  }
0xe8: {  	s4 =	sand.u32 $0x1FFFFFF0, s4;
	s5 =	sand.u32 $0x1FFFFFF0, s5;
	s8 =	spop (v2sf)  }
0xe9: {  	s4 =	sadd.s32 s29, s4;
	s6 =	sand.u32 $0x1FFFFFF0, s6;
	s9 =	spop (v2sf)  }
0xea: {  	s5 =	sadd.s32 s29, s5;
	s6 =	sadd.s32 s29, s6;
	s10 =	spop (v2sf)  }
0xeb: {  	s7 =	sand.u32 $0x1FFFFFF0, s7;
	s8 =	sand.u32 $0x1FFFFFF0, s8;
	s11 =	spop (v2sf)  }
0xec: {  	s7 =	sadd.s32 s29, s7;
	s8 =	sadd.s32 s29, s8;
	s14 =	spop (v2sf)  }
0xed: {  	s9 =	sand.u32 $0x1FFFFFF0, s9;
	s10 =	sand.u32 $0x1FFFFFF0, s10;
	s17 =	spop (v2sf)  }
0xee: {  	s10 =	sadd.s32 s29, s10;
	s14 =	sand.u32 $0x1FFFFFF0, s14;
	s19 =	spop (v2sf)  }
0xef: {  	s22 =	sand.u32 $0x1FFFFFF0, s17;
	s20 =	spop (v2sf);
	s19 =	sand.u32 $0x1FFFFFF0, s19  }
0xf0: {  	[hbm:s23], [sflag:s24] =	dma.local [hbm:s5], $0x10  }
0xf1: {  	s14 =	sadd.s32 s29, s14;
	s5 =	sadd.s32 $0xD0, s23;
	s19 =	sadd.s32 s29, s19  }
0xf2: {  	[hbm:s12], [sflag:s24] =	dma.local [hbm:s10], $0x10  }
0xf3: {  	s10 =	sadd.s32 $0x40, s23;
	s12 =	sadd.s32 s29, s22;
	s22 =	sadd.s32 $0x70, s23  }
0xf4: {  	[hbm:s21], [sflag:s24] =	dma.local [hbm:s4], $0x10  }
0xf5: {  	[hbm:s26], [sflag:s24] =	dma.local [hbm:s12], $0x10  }
0xf6: {  	s4 =	sadd.s32 $0x90, s23;
	s21 =	sand.u32 $0x1FFFFFF0, s3;
	s12 =	sadd.s32 $0xF0, s23  }
0xf7: {  	[hbm:s10], [sflag:s24] =	dma.local [hbm:s2], $0x10  }
0xf8: {  	s26 =	sadd.s32 $0xA0, s23;
	s10 =	sadd.s32 $0xE0, s23;
	s2 =	sadd.s32 s29, s21  }
0xf9: {  	[hbm:s13], [sflag:s24] =	dma.local [hbm:s2], $0x10  }
0xfa: {  	[hbm:s18], [sflag:s24] =	dma.local [hbm:s19], $0x10  }
0xfb: {  	[hbm:s22], [sflag:s24] =	dma.local [hbm:s14], $0x10  }
0xfc: {  	s21 =	sadd.s32 $0xB0, s23;
	s23 =	sand.u32 $0x1FFFFFF0, s11;
	s22 =	sand.u32 $0x1FFFFFF0, s20  }
0xfd: {  	s9 =	sadd.s32 s29, s9;
	s3 =	sadd.s32 s29, s23;
	s2 =	sadd.s32 s29, s22  }
0xfe: {  	[hbm:s15], [sflag:s24] =	dma.local [hbm:s2], $0x10  }
0xff: {  	[hbm:s4], [sflag:s24] =	dma.local [hbm:s6], $0x10  }
0x100: {  	[hbm:s26], [sflag:s24] =	dma.local [hbm:s8], $0x10  }
0x101: {  	[hbm:s21], [sflag:s24] =	dma.local [hbm:s9], $0x10  }
0x102: {  	[hbm:s16], [sflag:s24] =	dma.local [hbm:s3], $0x10  }
0x103: {  	[hbm:s5], [sflag:s24] =	dma.local [hbm:s1], $0x10  }
0x104: {  	[hbm:s10], [sflag:s24] =	dma.local [hbm:s7], $0x10  }
0x105: {  	[hbm:s12], [sflag:s24] =	dma.local [hbm:s0], $0x10  }
0x106: {  	v63 =	vld [tilespmem:s25+$0x0];
	_ =	sdelay $0x4  }
0x107: {  	v0 =	vshll.u32 v63, $0x4  }
0x108: {  	(v2sf) =	vpush v0, $0xF  }
0x109: {  	(v2sf) =	vpush v0, $0x1  }
0x10a: {  	(v2sf) =	vpush v0, $0x5  }
0x10b: {  	(v2sf) =	vpush v0, $0xE  }
0x10c: {  	(v2sf) =	vpush v0, $0x6  }
0x10d: {  	(v2sf) =	vpush v0, $0x0  }
0x10e: {  	(v2sf) =	vpush v0, $0x9  }
0x10f: {  	(v2sf) =	vpush v0, $0x3  }
0x110: {  	(v2sf) =	vpush v0, $0x7  }
0x111: {  	(v2sf) =	vpush v0, $0xD  }
0x112: {  	(v2sf) =	vpush v0, $0xA  }
0x113: {  	(v2sf) =	vpush v0, $0xC;
	_ =	sdelay $0x1  }
0x114: {  	(v2sf) =	vpush v0, $0x2  }
0x115: {  	(v2sf) =	vpush v0, $0x4  }
0x116: {  	s28 =	simm.s32 $0x210;
	s23 =	simm.s32 $0x100;
	(v2sf) =	vpush v0, $0xB;
	s1 =	spop (v2sf)  }
0x117: {  	s24 =	simm.s32 $0x200;
	s8 =	rddreg [dreg:$0x6];
	(v2sf) =	vpush v0, $0x8;
	s0 =	spop (v2sf)  }
0x118: {  	s15 =	sld [smem:$0x7FC];
	s11 =	sadd.s32 $0x0, s8;
	s2 =	spop (v2sf)  }
0x119: {  	s7 =	sadd.s32 $0x40, s11;
	s17 =	sadd.s32 $0x10, s11;
	s3 =	spop (v2sf)  }
0x11a: {  	s18 =	sadd.s32 $0x20, s11;
	s21 =	sadd.s32 $0x30, s11;
	s4 =	spop (v2sf)  }
0x11b: {  	s29 =	sadd.s32 $0xF0, s11;
	s30 =	sadd.s32 $0xC0, s11;
	s26 =	spop (v2sf)  }
0x11c: {  	s31 =	sadd.s32 $0xD0, s11;
	s22 =	sor.u32 $0x1C03, s15;
	s6 =	spop (v2sf)  }
0x11d: {  	s15 =	sadd.s32 $0x60, s11;
	s1 =	sand.u32 $0x1FFFFFF0, s1;
	s10 =	spop (v2sf)  }
0x11e: {  	s0 =	sand.u32 $0x1FFFFFF0, s0;
	s2 =	sand.u32 $0x1FFFFFF0, s2;
	s12 =	spop (v2sf)  }
0x11f: {  	s3 =	sand.u32 $0x1FFFFFF0, s3;
	s4 =	sand.u32 $0x1FFFFFF0, s4;
	s9 =	spop (v2sf)  }
0x120: {  	s5 =	sand.u32 $0x1FFFFFF0, s26;
	s26 =	rddreg [dreg:$0xa];
	s16 =	spop (v2sf)  }
0x121: {  	s5 =	sadd.s32 s26, s5;
	s0 =	sadd.s32 s26, s0;
	s13 =	spop (v2sf)  }
0x122: {  	[hbm:s11], [sflag:s22] =	dma.local [hbm:s5], $0x10  }
0x123: {  	s2 =	sadd.s32 s26, s2;
	s6 =	sand.u32 $0x1FFFFFF0, s6;
	s5 =	spop (v2sf)  }
0x124: {  	s1 =	sadd.s32 s26, s1;
	s8 =	sand.u32 $0x1FFFFFF0, s10;
	s14 =	spop (v2sf)  }
0x125: {  	s10 =	sadd.s32 $0x90, s11;
	s25 =	sadd.s32 s26, s8;
	s19 =	spop (v2sf)  }
0x126: {  	s5 =	sand.u32 $0x1FFFFFF0, s5;
	s8 =	sand.u32 $0x1FFFFFF0, s14;
	s20 =	spop (v2sf)  }
0x127: {  	[hbm:s17], [sflag:s22] =	dma.local [hbm:s0], $0x10  }
0x128: {  	s5 =	sadd.s32 s26, s5;
	s14 =	sadd.s32 $0x50, s11;
	s0 =	sadd.s32 s26, s8  }
0x129: {  	[hbm:s18], [sflag:s22] =	dma.local [hbm:s5], $0x10  }
0x12a: {  	s17 =	sadd.s32 s26, s4;
	s8 =	sadd.s32 $0x80, s11;
	s18 =	sand.u32 $0x1FFFFFF0, s12  }
0x12b: {  	[hbm:s21], [sflag:s22] =	dma.local [hbm:s25], $0x10  }
0x12c: {  	s12 =	sand.u32 $0x1FFFFFF0, s16;
	s25 =	simm.s32 $0x220;
	s21 =	sadd.s32 $0x70, s11  }
0x12d: {  	s4 =	sadd.s32 s26, s18;
	s18 =	sadd.s32 s26, s3;
	s16 =	sadd.s32 s26, s12  }
0x12e: {  	[hbm:s7], [sflag:s22] =	dma.local [hbm:s0], $0x10  }
0x12f: {  	[hbm:s14], [sflag:s22] =	dma.local [hbm:s2], $0x10  }
0x130: {  	s0 =	sadd.s32 $0xE0, s11;
	s7 =	sadd.s32 $0xA0, s11;
	s2 =	sadd.s32 $0xB0, s11  }
0x131: {  	[hbm:s15], [sflag:s22] =	dma.local [hbm:s17], $0x10  }
0x132: {  	s11 =	sand.u32 $0x1FFFFFF0, s9;
	s14 =	sand.u32 $0x1FFFFFF0, s13;
	s17 =	sadd.s32 s26, s6  }
0x133: {  	[hbm:s21], [sflag:s22] =	dma.local [hbm:s4], $0x10  }
0x134: {  	s15 =	sand.u32 $0x1FFFFFF0, s19;
	s11 =	sadd.s32 s26, s11;
	s21 =	sand.u32 $0x1FFFFFF0, s20  }
0x135: {  	s19 =	sadd.s32 s26, s14;
	s20 =	sadd.s32 s26, s21;
	s21 =	sadd.s32 s26, s15  }
.LBB2_6:
0x136: {  	[hbm:s8], [sflag:s22] =	dma.local [hbm:s20], $0x10  }
0x137: {  	[hbm:s10], [sflag:s22] =	dma.local [hbm:s17], $0x10  }
0x138: {  	[hbm:s7], [sflag:s22] =	dma.local [hbm:s16], $0x10  }
0x139: {  	[hbm:s2], [sflag:s22] =	dma.local [hbm:s21], $0x10  }
0x13a: {  	[hbm:s30], [sflag:s22] =	dma.local [hbm:s19], $0x10  }
0x13b: {  	[hbm:s31], [sflag:s22] =	dma.local [hbm:s11], $0x10  }
0x13c: {  	[hbm:s0], [sflag:s22] =	dma.local [hbm:s18], $0x10  }
0x13d: {  	[hbm:s29], [sflag:s22] =	dma.local [hbm:s1], $0x10  }
0x13e: {  	v0 =	vld [tilespmem:s28+$0x0];
	_ =	sdelay $0x4  }
0x13f: {  	v0 =	vshll.u32 v0, $0x4  }
0x140: {  	(v2sf) =	vpush v0, $0xF  }
0x141: {  	(v2sf) =	vpush v0, $0x1  }
0x142: {  	(v2sf) =	vpush v0, $0x5  }
0x143: {  	(v2sf) =	vpush v0, $0xE  }
0x144: {  	(v2sf) =	vpush v0, $0x6  }
0x145: {  	(v2sf) =	vpush v0, $0x0  }
0x146: {  	(v2sf) =	vpush v0, $0x9  }
0x147: {  	(v2sf) =	vpush v0, $0x3  }
0x148: {  	(v2sf) =	vpush v0, $0x7  }
0x149: {  	(v2sf) =	vpush v0, $0xD  }
0x14a: {  	s11 =	smov.u32 s24;
	s1 =	rddreg [dreg:$0x6];
	(v2sf) =	vpush v0, $0xA  }
0x14b: {  	s12 =	smov.u32 s11;
	s16 =	sadd.s32 s23, s1;
	(v2sf) =	vpush v0, $0xC  }
0x14c: {  	[dreg:$0xf] =	wrdreg s12;
	s13 =	sadd.s32 $0x40, s16  }
0x14d: {  	s10 =	sadd.s32 $0x90, s16;
	s29 =	sadd.s32 $0xF0, s16;
	s30 =	sadd.s32 $0xC0, s16  }
0x14e: {  	s31 =	sadd.s32 $0xD0, s16;
	s0 =	sadd.s32 $0xE0, s16;
	s14 =	sadd.s32 $0x60, s16  }
0x14f: {  	s2 =	sadd.s32 $0xB0, s16;
	s3 =	sadd.s32 $0x50, s16;
	(v2sf) =	vpush v0, $0x2;
	s15 =	spop (v2sf)  }
0x150: {  	s4 =	sadd.s32 $0x30, s16;
	[dreg:$0x12] =	wrdreg s13;
	(v2sf) =	vpush v0, $0x4;
	s17 =	spop (v2sf)  }
0x151: {  	s7 =	sadd.s32 $0xA0, s16;
	[dreg:$0x1b] =	wrdreg s14;
	(v2sf) =	vpush v0, $0xB;
	s18 =	spop (v2sf)  }
0x152: {  	s8 =	sadd.s32 $0x80, s16;
	[dreg:$0x1d] =	wrdreg s3;
	(v2sf) =	vpush v0, $0x8;
	s5 =	spop (v2sf)  }
0x153: {  	[dreg:$0x1f] =	wrdreg s4;
	s13 =	sadd.s32 $0x20, s16;
	s6 =	spop (v2sf)  }
0x154: {  	s14 =	sadd.s32 $0x10, s16;
	s1 =	sand.u32 $0x1FFFFFF0, s15;
	s19 =	spop (v2sf)  }
0x155: {  	s3 =	sand.u32 $0x1FFFFFF0, s17;
	s1 =	sadd.s32 s26, s1;
	s20 =	spop (v2sf)  }
0x156: {  	s4 =	sand.u32 $0x1FFFFFF0, s18;
	s5 =	sand.u32 $0x1FFFFFF0, s5;
	s21 =	spop (v2sf)  }
0x157: {  	s6 =	sand.u32 $0x1FFFFFF0, s6;
	s11 =	sand.u32 $0x1FFFFFF0, s19;
	s23 =	spop (v2sf)  }
0x158: {  	s11 =	sadd.s32 s26, s11;
	s17 =	sand.u32 $0x1FFFFFF0, s20;
	s9 =	spop (v2sf)  }
0x159: {  	s17 =	sadd.s32 s26, s17;
	s20 =	sand.u32 $0x1FFFFFF0, s23;
	s12 =	spop (v2sf)  }
0x15a: {  	s19 =	sand.u32 $0x1FFFFFF0, s9;
	s9 =	rddreg [dreg:$0xa];
	s15 =	spop (v2sf)  }
0x15b: {  	[hbm:s16], [sflag:s22] =	dma.local [hbm:s11], $0x10  }
0x15c: {  	s23 =	sadd.s32 $0x70, s16;
	s26 =	sand.u32 $0x1FFFFFF0, s12;
	s11 =	rddreg [dreg:$0xa]  }
0x15d: {  	s18 =	sadd.s32 s9, s5;
	s5 =	sand.u32 $0x1FFFFFF0, s15;
	s12 =	rddreg [dreg:$0xa]  }
0x15e: {  	s15 =	rddreg [dreg:$0xa];
	s4 =	sadd.s32 s11, s4;
	s11 =	spop (v2sf)  }
0x15f: {  	s16 =	sadd.s32 s12, s26;
	s11 =	sand.u32 $0x1FFFFFF0, s11;
	s26 =	spop (v2sf)  }
0x160: {  	s12 =	sadd.s32 s15, s11;
	s9 =	spop (v2sf);
	s15 =	rddreg [dreg:$0xa]  }
0x161: {  	s11 =	sadd.s32 s15, s19;
	s19 =	spop (v2sf);
	s15 =	rddreg [dreg:$0xa]  }
0x162: {  	s6 =	sadd.s32 s15, s6;
	s15 =	sand.u32 $0x1FFFFFF0, s19;
	s19 =	rddreg [dreg:$0xa]  }
0x163: {  	s19 =	sadd.s32 s19, s5;
	s5 =	rddreg [dreg:$0xa]  }
0x164: {  	s3 =	sadd.s32 s5, s3;
	s5 =	rddreg [dreg:$0xa]  }
0x165: {  	s5 =	sadd.s32 s5, s20;
	s20 =	rddreg [dreg:$0xa]  }
0x166: {  	[hbm:s14], [sflag:s22] =	dma.local [hbm:s3], $0x10  }
0x167: {  	s3 =	rddreg [dreg:$0xa]  }
0x168: {  	s26 =	sand.u32 $0x1FFFFFF0, s26;
	s14 =	rddreg [dreg:$0xa]  }
0x169: {  	s21 =	sand.u32 $0x1FFFFFF0, s21;
	s14 =	sadd.s32 s14, s26;
	s26 =	rddreg [dreg:$0xa]  }
0x16a: {  	[hbm:s13], [sflag:s22] =	dma.local [hbm:s12], $0x10  }
0x16b: {  	s20 =	sadd.s32 s20, s15;
	s3 =	sadd.s32 s3, s21;
	s15 =	rddreg [dreg:$0x1f]  }
0x16c: {  	[hbm:s15], [sflag:s22] =	dma.local [hbm:s3], $0x10  }
0x16d: {  	s3 =	rddreg [dreg:$0x12]  }
0x16e: {  	[hbm:s3], [sflag:s22] =	dma.local [hbm:s14], $0x10  }
0x16f: {  	p0 =	sne.s32 s24, $0x1F00;
	s3 =	rddreg [dreg:$0x1d]  }
0x170: {  	[hbm:s3], [sflag:s22] =	dma.local [hbm:s4], $0x10  }
.Ltmp2:
0x171: {  	s24 =	sadd.s32 $0x100, s24;
	(pc) =	sbr.rel @p0 .LBB2_6-.Ltmp2, $4  }
0x172: {  	s28 =	smov.u32 s25;
	s9 =	sand.u32 $0x1FFFFFF0, s9;
	s3 =	rddreg [dreg:$0x1b]  }
0x173: {  	[hbm:s3], [sflag:s22] =	dma.local [hbm:s6], $0x10  }
0x174: {  	[hbm:s23], [sflag:s22] =	dma.local [hbm:s5], $0x10  }
0x175: {  	s25 =	sadd.s32 $0x10, s25;
	s21 =	sadd.s32 s26, s9;
	s23 =	rddreg [dreg:$0xf]  }
0x176: {  	[hbm:s8], [sflag:s22] =	dma.local [hbm:s20], $0x10  }
0x177: {  	[hbm:s10], [sflag:s22] =	dma.local [hbm:s17], $0x10  }
0x178: {  	[hbm:s7], [sflag:s22] =	dma.local [hbm:s16], $0x10  }
0x179: {  	[hbm:s2], [sflag:s22] =	dma.local [hbm:s21], $0x10  }
0x17a: {  	[hbm:s30], [sflag:s22] =	dma.local [hbm:s19], $0x10  }
0x17b: {  	[hbm:s31], [sflag:s22] =	dma.local [hbm:s11], $0x10  }
0x17c: {  	[hbm:s0], [sflag:s22] =	dma.local [hbm:s18], $0x10  }
0x17d: {  	[hbm:s29], [sflag:s22] =	dma.local [hbm:s1], $0x10  }
0x17e: {  	v0 =	vld [tilespmem:s28+$0x0];
	_ =	sdelay $0x4  }
0x17f: {  	v0 =	vshll.u32 v0, $0x4  }
0x180: {  	(v2sf) =	vpush v0, $0xF  }
0x181: {  	(v2sf) =	vpush v0, $0x1  }
0x182: {  	(v2sf) =	vpush v0, $0x5  }
0x183: {  	(v2sf) =	vpush v0, $0xE  }
0x184: {  	(v2sf) =	vpush v0, $0x6  }
0x185: {  	(v2sf) =	vpush v0, $0x0  }
0x186: {  	(v2sf) =	vpush v0, $0x9  }
0x187: {  	(v2sf) =	vpush v0, $0x3  }
0x188: {  	(v2sf) =	vpush v0, $0x7  }
0x189: {  	(v2sf) =	vpush v0, $0xD  }
0x18a: {  	(v2sf) =	vpush v0, $0xA  }
0x18b: {  	(v2sf) =	vpush v0, $0xC  }
0x18c: {  	s24 =	rddreg [dreg:$0x6]  }
0x18d: {  	s8 =	sadd.s32 s23, s24;
	(v2sf) =	vpush v0, $0x2  }
0x18e: {  	s15 =	sadd.s32 $0x10, s8;
	(v2sf) =	vpush v0, $0x4  }
0x18f: {  	s25 =	sadd.s32 $0x40, s8;
	s31 =	sadd.s32 $0x20, s8;
	(v2sf) =	vpush v0, $0xB;
	s0 =	spop (v2sf)  }
0x190: {  	s18 =	sadd.s32 $0x30, s8;
	s19 =	sadd.s32 $0xC0, s8;
	s1 =	spop (v2sf);
	(v2sf) =	vpush v0, $0x8  }
0x191: {  	s20 =	sadd.s32 $0xD0, s8;
	s23 =	sadd.s32 $0x50, s8;
	s2 =	spop (v2sf)  }
0x192: {  	s24 =	sadd.s32 $0x60, s8;
	s0 =	sand.u32 $0x1FFFFFF0, s0;
	s3 =	spop (v2sf)  }
0x193: {  	s1 =	sand.u32 $0x1FFFFFF0, s1;
	s0 =	sadd.s32 s26, s0;
	s4 =	spop (v2sf)  }
0x194: {  	s1 =	sadd.s32 s26, s1;
	s2 =	sand.u32 $0x1FFFFFF0, s2;
	s5 =	spop (v2sf)  }
0x195: {  	s2 =	sadd.s32 s26, s2;
	s3 =	sand.u32 $0x1FFFFFF0, s3;
	s6 =	spop (v2sf)  }
0x196: {  	s4 =	sand.u32 $0x1FFFFFF0, s4;
	s5 =	sand.u32 $0x1FFFFFF0, s5;
	s21 =	spop (v2sf)  }
0x197: {  	s4 =	sadd.s32 s26, s4;
	s5 =	sadd.s32 s26, s5;
	s9 =	spop (v2sf)  }
0x198: {  	s6 =	sand.u32 $0x1FFFFFF0, s6;
	s7 =	sand.u32 $0x1FFFFFF0, s21;
	s10 =	spop (v2sf)  }
0x199: {  	s21 =	sadd.s32 $0xE0, s8;
	s7 =	sadd.s32 s26, s7;
	s11 =	spop (v2sf)  }
0x19a: {  	s9 =	sand.u32 $0x1FFFFFF0, s9;
	s10 =	sand.u32 $0x1FFFFFF0, s10;
	s12 =	spop (v2sf)  }
0x19b: {  	[hbm:s8], [sflag:s22] =	dma.local [hbm:s5], $0x10  }
0x19c: {  	s9 =	sadd.s32 s26, s9;
	s11 =	sand.u32 $0x1FFFFFF0, s11;
	s5 =	spop (v2sf)  }
0x19d: {  	s12 =	sand.u32 $0x1FFFFFF0, s12;
	s11 =	sadd.s32 s26, s11;
	s13 =	spop (v2sf)  }
0x19e: {  	s12 =	sadd.s32 s26, s12;
	s5 =	sand.u32 $0x1FFFFFF0, s5;
	s14 =	spop (v2sf)  }
0x19f: {  	s5 =	sadd.s32 s26, s5;
	s13 =	sand.u32 $0x1FFFFFF0, s13;
	s16 =	spop (v2sf)  }
0x1a0: {  	[hbm:s15], [sflag:s22] =	dma.local [hbm:s1], $0x10  }
0x1a1: {  	s13 =	sadd.s32 s26, s13;
	s14 =	sand.u32 $0x1FFFFFF0, s14;
	s15 =	sadd.s32 $0x90, s8  }
0x1a2: {  	[hbm:s31], [sflag:s22] =	dma.local [hbm:s5], $0x10  }
0x1a3: {  	s16 =	sand.u32 $0x1FFFFFF0, s16;
	s14 =	sadd.s32 s26, s14;
	s5 =	sadd.s32 $0xF0, s8  }
0x1a4: {  	[hbm:s18], [sflag:s22] =	dma.local [hbm:s7], $0x10  }
0x1a5: {  	s31 =	sadd.s32 $0xA0, s8;
	s16 =	sadd.s32 s26, s16;
	s18 =	sadd.s32 $0x80, s8  }
0x1a6: {  	[hbm:s25], [sflag:s22] =	dma.local [hbm:s13], $0x10  }
0x1a7: {  	[hbm:s23], [sflag:s22] =	dma.local [hbm:s2], $0x10  }
0x1a8: {  	[hbm:s24], [sflag:s22] =	dma.local [hbm:s4], $0x10  }
0x1a9: {  	s25 =	sadd.s32 $0xB0, s8;
	s8 =	sadd.s32 $0x70, s8;
	s4 =	sadd.s32 s26, s6  }
0x1aa: {  	[hbm:s8], [sflag:s22] =	dma.local [hbm:s9], $0x10  }
0x1ab: {  	[hbm:s18], [sflag:s22] =	dma.local [hbm:s16], $0x10  }
0x1ac: {  	[hbm:s15], [sflag:s22] =	dma.local [hbm:s4], $0x10  }
0x1ad: {  	[hbm:s31], [sflag:s22] =	dma.local [hbm:s11], $0x10  }
0x1ae: {  	[hbm:s25], [sflag:s22] =	dma.local [hbm:s14], $0x10  }
0x1af: {  	[hbm:s19], [sflag:s22] =	dma.local [hbm:s12], $0x10  }
0x1b0: {  	s3 =	sadd.s32 s26, s3;
	s10 =	sadd.s32 s26, s10;
	s19 =	simm.s32 $0x200  }
0x1b1: {  	[hbm:s20], [sflag:s22] =	dma.local [hbm:s10], $0x10  }
0x1b2: {  	[hbm:s21], [sflag:s22] =	dma.local [hbm:s3], $0x10  }
0x1b3: {  	[hbm:s5], [sflag:s22] =	dma.local [hbm:s0], $0x10  }
0x1b4: {  	v63 =	vld [tilespmem:s19+$0x0];
	_ =	sdelay $0x4  }
0x1b5: {  	v0 =	vshll.u32 v63, $0x4  }
0x1b6: {  	(v2sf) =	vpush v0, $0xF  }
0x1b7: {  	(v2sf) =	vpush v0, $0x1  }
0x1b8: {  	(v2sf) =	vpush v0, $0x5  }
0x1b9: {  	(v2sf) =	vpush v0, $0xE  }
0x1ba: {  	(v2sf) =	vpush v0, $0x6  }
0x1bb: {  	(v2sf) =	vpush v0, $0x0  }
0x1bc: {  	(v2sf) =	vpush v0, $0x9  }
0x1bd: {  	(v2sf) =	vpush v0, $0x3  }
0x1be: {  	(v2sf) =	vpush v0, $0x7  }
0x1bf: {  	(v2sf) =	vpush v0, $0xD  }
0x1c0: {  	(v2sf) =	vpush v0, $0xA  }
0x1c1: {  	(v2sf) =	vpush v0, $0xC;
	_ =	sdelay $0x1  }
0x1c2: {  	(v2sf) =	vpush v0, $0x2  }
0x1c3: {  	s23 =	rddreg [dreg:$0x7];
	(v2sf) =	vpush v0, $0x4  }
0x1c4: {  	s25 =	sld [smem:$0x7FC];
	(v2sf) =	vpush v0, $0xB;
	s1 =	spop (v2sf)  }
0x1c5: {  	s22 =	rddreg [dreg:$0xb];
	s11 =	sadd.s32 $0x0, s23;
	(v2sf) =	vpush v0, $0x8;
	s20 =	spop (v2sf)  }
0x1c6: {  	s23 =	simm.s32 $0x200;
	s17 =	sadd.s32 $0x10, s11;
	s2 =	spop (v2sf)  }
0x1c7: {  	s18 =	sadd.s32 $0x20, s11;
	s31 =	sadd.s32 $0x30, s11;
	s3 =	spop (v2sf)  }
0x1c8: {  	s15 =	sadd.s32 $0x90, s11;
	s28 =	sadd.s32 $0xC0, s11;
	s4 =	spop (v2sf)  }
0x1c9: {  	s14 =	sadd.s32 $0x50, s11;
	s29 =	sadd.s32 $0xD0, s11;
	s5 =	spop (v2sf)  }
0x1ca: {  	s7 =	sadd.s32 $0xA0, s11;
	s21 =	sor.u32 $0x1C04, s25;
	s6 =	spop (v2sf)  }
0x1cb: {  	s25 =	simm.s32 $0x100;
	s1 =	sand.u32 $0x1FFFFFF0, s1;
	s24 =	spop (v2sf)  }
0x1cc: {  	s0 =	sand.u32 $0x1FFFFFF0, s20;
	s20 =	sadd.s32 $0x40, s11;
	s12 =	spop (v2sf)  }
0x1cd: {  	s1 =	sadd.s32 s22, s1;
	s0 =	sadd.s32 s22, s0;
	s10 =	spop (v2sf)  }
0x1ce: {  	s2 =	sand.u32 $0x1FFFFFF0, s2;
	s5 =	sand.u32 $0x1FFFFFF0, s5;
	s16 =	spop (v2sf)  }
0x1cf: {  	s2 =	sadd.s32 s22, s2;
	s5 =	sadd.s32 s22, s5;
	s13 =	spop (v2sf)  }
0x1d0: {  	[hbm:s11], [sflag:s21] =	dma.local [hbm:s5], $0x10  }
0x1d1: {  	s3 =	sand.u32 $0x1FFFFFF0, s3;
	s6 =	sand.u32 $0x1FFFFFF0, s6;
	s5 =	spop (v2sf)  }
0x1d2: {  	s8 =	sand.u32 $0x1FFFFFF0, s24;
	s24 =	simm.s32 $0x220;
	s26 =	spop (v2sf)  }
0x1d3: {  	s8 =	sadd.s32 s22, s8;
	s5 =	sand.u32 $0x1FFFFFF0, s5;
	s9 =	spop (v2sf)  }
0x1d4: {  	s13 =	sand.u32 $0x1FFFFFF0, s13;
	s5 =	sadd.s32 s22, s5;
	s19 =	spop (v2sf)  }
0x1d5: {  	[hbm:s17], [sflag:s21] =	dma.local [hbm:s0], $0x10  }
0x1d6: {  	[hbm:s18], [sflag:s21] =	dma.local [hbm:s5], $0x10  }
0x1d7: {  	[hbm:s31], [sflag:s21] =	dma.local [hbm:s8], $0x10  }
0x1d8: {  	s17 =	sadd.s32 $0x60, s11;
	s0 =	sadd.s32 $0xE0, s11;
	s8 =	sand.u32 $0x1FFFFFF0, s26  }
0x1d9: {  	s18 =	sand.u32 $0x1FFFFFF0, s4;
	s26 =	sadd.s32 $0xF0, s11;
	s5 =	sadd.s32 s22, s8  }
0x1da: {  	[hbm:s20], [sflag:s21] =	dma.local [hbm:s5], $0x10  }
0x1db: {  	s31 =	sadd.s32 $0x70, s11;
	s8 =	sadd.s32 $0x80, s11;
	s20 =	sand.u32 $0x1FFFFFF0, s12  }
0x1dc: {  	[hbm:s14], [sflag:s21] =	dma.local [hbm:s2], $0x10  }
0x1dd: {  	s12 =	sand.u32 $0x1FFFFFF0, s16;
	s2 =	sadd.s32 s22, s18;
	s4 =	sadd.s32 s22, s20  }
0x1de: {  	s18 =	sadd.s32 s22, s3;
	s16 =	sadd.s32 s22, s12;
	s14 =	sand.u32 $0x1FFFFFF0, s9  }
0x1df: {  	[hbm:s17], [sflag:s21] =	dma.local [hbm:s2], $0x10  }
0x1e0: {  	s2 =	sadd.s32 $0xB0, s11;
	s17 =	sadd.s32 s22, s6;
	s11 =	sand.u32 $0x1FFFFFF0, s10  }
0x1e1: {  	[hbm:s31], [sflag:s21] =	dma.local [hbm:s4], $0x10  }
0x1e2: {  	s30 =	sadd.s32 s22, s14;
	s10 =	simm.s32 $0x210;
	s31 =	sand.u32 $0x1FFFFFF0, s19  }
0x1e3: {  	s11 =	sadd.s32 s22, s11;
	s19 =	sadd.s32 s22, s13;
	s20 =	sadd.s32 s22, s31  }
.LBB2_8:
0x1e4: {  	[hbm:s8], [sflag:s21] =	dma.local [hbm:s20], $0x10  }
0x1e5: {  	[hbm:s15], [sflag:s21] =	dma.local [hbm:s17], $0x10  }
0x1e6: {  	[hbm:s7], [sflag:s21] =	dma.local [hbm:s16], $0x10  }
0x1e7: {  	[hbm:s2], [sflag:s21] =	dma.local [hbm:s30], $0x10  }
0x1e8: {  	[hbm:s28], [sflag:s21] =	dma.local [hbm:s19], $0x10  }
0x1e9: {  	[hbm:s29], [sflag:s21] =	dma.local [hbm:s11], $0x10  }
0x1ea: {  	[hbm:s0], [sflag:s21] =	dma.local [hbm:s18], $0x10  }
0x1eb: {  	[hbm:s26], [sflag:s21] =	dma.local [hbm:s1], $0x10  }
0x1ec: {  	v0 =	vld [tilespmem:s10+$0x0];
	_ =	sdelay $0x4  }
0x1ed: {  	v0 =	vshll.u32 v0, $0x4  }
0x1ee: {  	(v2sf) =	vpush v0, $0xF  }
0x1ef: {  	(v2sf) =	vpush v0, $0x1  }
0x1f0: {  	(v2sf) =	vpush v0, $0x5  }
0x1f1: {  	(v2sf) =	vpush v0, $0xE  }
0x1f2: {  	(v2sf) =	vpush v0, $0x6  }
0x1f3: {  	(v2sf) =	vpush v0, $0x0  }
0x1f4: {  	(v2sf) =	vpush v0, $0x9  }
0x1f5: {  	(v2sf) =	vpush v0, $0x3  }
0x1f6: {  	(v2sf) =	vpush v0, $0x7  }
0x1f7: {  	(v2sf) =	vpush v0, $0xD  }
0x1f8: {  	s7 =	smov.u32 s23;
	(v2sf) =	vpush v0, $0xA  }
0x1f9: {  	s8 =	smov.u32 s7;
	s1 =	rddreg [dreg:$0x7]  }
0x1fa: {  	[dreg:$0x16] =	wrdreg s8;
	s16 =	sadd.s32 s25, s1;
	(v2sf) =	vpush v0, $0xC  }
0x1fb: {  	s9 =	sadd.s32 $0x40, s16;
	s15 =	sadd.s32 $0x90, s16;
	s26 =	sadd.s32 $0xF0, s16  }
0x1fc: {  	s28 =	sadd.s32 $0xC0, s16;
	s29 =	sadd.s32 $0xD0, s16;
	s0 =	sadd.s32 $0xE0, s16;
	(v2sf) =	vpush v0, $0x2  }
0x1fd: {  	s11 =	sadd.s32 $0x60, s16;
	s2 =	sadd.s32 $0xB0, s16;
	s12 =	spop (v2sf)  }
0x1fe: {  	s3 =	sadd.s32 $0x50, s16;
	s4 =	sadd.s32 $0x30, s16;
	(v2sf) =	vpush v0, $0x4;
	s13 =	spop (v2sf)  }
0x1ff: {  	s7 =	sadd.s32 $0xA0, s16;
	[dreg:$0x13] =	wrdreg s9;
	(v2sf) =	vpush v0, $0xB;
	s14 =	spop (v2sf)  }
0x200: {  	s8 =	sadd.s32 $0x80, s16;
	[dreg:$0x1c] =	wrdreg s11;
	s5 =	spop (v2sf)  }
0x201: {  	s31 =	sadd.s32 $0x70, s16;
	[dreg:$0x1e] =	wrdreg s3;
	(v2sf) =	vpush v0, $0x8;
	s6 =	spop (v2sf)  }
0x202: {  	[smem:$0x7F7] =	sst s4;
	s1 =	sand.u32 $0x1FFFFFF0, s12;
	s17 =	spop (v2sf)  }
0x203: {  	s3 =	sand.u32 $0x1FFFFFF0, s13;
	s13 =	sadd.s32 $0x20, s16;
	s18 =	spop (v2sf)  }
0x204: {  	s1 =	sadd.s32 s22, s1;
	s4 =	sand.u32 $0x1FFFFFF0, s14;
	s19 =	spop (v2sf)  }
0x205: {  	s14 =	sadd.s32 $0x10, s16;
	s11 =	sand.u32 $0x1FFFFFF0, s17;
	s20 =	spop (v2sf)  }
0x206: {  	s5 =	sand.u32 $0x1FFFFFF0, s5;
	s11 =	sadd.s32 s22, s11;
	s25 =	spop (v2sf)  }
0x207: {  	s17 =	sand.u32 $0x1FFFFFF0, s18;
	s30 =	sand.u32 $0x1FFFFFF0, s19;
	s9 =	spop (v2sf)  }
0x208: {  	s17 =	sadd.s32 s22, s17;
	s22 =	sand.u32 $0x1FFFFFF0, s9;
	s9 =	rddreg [dreg:$0xb]  }
0x209: {  	s19 =	sand.u32 $0x1FFFFFF0, s25;
	s12 =	spop (v2sf);
	s18 =	sadd.s32 s9, s5  }
0x20a: {  	[hbm:s16], [sflag:s21] =	dma.local [hbm:s11], $0x10  }
0x20b: {  	s5 =	sand.u32 $0x1FFFFFF0, s12;
	s16 =	rddreg [dreg:$0xb];
	s11 =	spop (v2sf)  }
0x20c: {  	s25 =	rddreg [dreg:$0xb];
	s4 =	sadd.s32 s16, s4;
	s11 =	sand.u32 $0x1FFFFFF0, s11  }
0x20d: {  	s16 =	sadd.s32 s25, s22;
	s12 =	spop (v2sf);
	s25 =	rddreg [dreg:$0xb]  }
0x20e: {  	s6 =	sand.u32 $0x1FFFFFF0, s6;
	s25 =	sadd.s32 s25, s11;
	s9 =	spop (v2sf)  }
0x20f: {  	s22 =	sand.u32 $0x1FFFFFF0, s12;
	s11 =	rddreg [dreg:$0xb];
	s12 =	sand.u32 $0x1FFFFFF0, s9  }
0x210: {  	s11 =	sadd.s32 s11, s19;
	s19 =	spop (v2sf);
	s9 =	rddreg [dreg:$0xb]  }
0x211: {  	s6 =	sadd.s32 s9, s6;
	s9 =	sand.u32 $0x1FFFFFF0, s19;
	s19 =	rddreg [dreg:$0xb]  }
0x212: {  	s19 =	sadd.s32 s19, s5;
	s5 =	rddreg [dreg:$0xb]  }
0x213: {  	s20 =	sand.u32 $0x1FFFFFF0, s20;
	s3 =	sadd.s32 s5, s3;
	s5 =	rddreg [dreg:$0xb]  }
0x214: {  	s5 =	sadd.s32 s5, s20;
	s20 =	rddreg [dreg:$0xb]  }
0x215: {  	[hbm:s14], [sflag:s21] =	dma.local [hbm:s3], $0x10  }
0x216: {  	s3 =	rddreg [dreg:$0xb]  }
0x217: {  	s14 =	rddreg [dreg:$0xb]  }
0x218: {  	s20 =	sadd.s32 s20, s9;
	s9 =	sadd.s32 s14, s22;
	s22 =	rddreg [dreg:$0xb]  }
0x219: {  	[hbm:s13], [sflag:s21] =	dma.local [hbm:s25], $0x10  }
0x21a: {  	s14 =	sld [smem:$0x7F7];
	_ =	sdelay $0x1  }
0x21b: {  	s3 =	sadd.s32 s3, s30;
	s25 =	rddreg [dreg:$0x16]  }
0x21c: {  	[hbm:s14], [sflag:s21] =	dma.local [hbm:s3], $0x10  }
0x21d: {  	p0 =	sne.s32 s23, $0x1F00;
	s23 =	sadd.s32 $0x100, s23;
	s3 =	rddreg [dreg:$0x13]  }
0x21e: {  	[hbm:s3], [sflag:s21] =	dma.local [hbm:s9], $0x10  }
.Ltmp3:
0x21f: {  	s10 =	smov.u32 s24;
	s3 =	rddreg [dreg:$0x1e];
	(pc) =	sbr.rel @p0 .LBB2_8-.Ltmp3, $4  }
0x220: {  	[hbm:s3], [sflag:s21] =	dma.local [hbm:s4], $0x10  }
0x221: {  	s24 =	sadd.s32 $0x10, s24;
	s30 =	sadd.s32 s22, s12;
	s3 =	rddreg [dreg:$0x1c]  }
0x222: {  	[hbm:s3], [sflag:s21] =	dma.local [hbm:s6], $0x10  }
0x223: {  	[hbm:s31], [sflag:s21] =	dma.local [hbm:s5], $0x10  }
0x224: {  	[hbm:s8], [sflag:s21] =	dma.local [hbm:s20], $0x10  }
0x225: {  	[hbm:s15], [sflag:s21] =	dma.local [hbm:s17], $0x10  }
0x226: {  	[hbm:s7], [sflag:s21] =	dma.local [hbm:s16], $0x10  }
0x227: {  	[hbm:s2], [sflag:s21] =	dma.local [hbm:s30], $0x10  }
0x228: {  	[hbm:s28], [sflag:s21] =	dma.local [hbm:s19], $0x10  }
0x229: {  	[hbm:s29], [sflag:s21] =	dma.local [hbm:s11], $0x10  }
0x22a: {  	[hbm:s0], [sflag:s21] =	dma.local [hbm:s18], $0x10  }
0x22b: {  	[hbm:s26], [sflag:s21] =	dma.local [hbm:s1], $0x10  }
0x22c: {  	v0 =	vld [tilespmem:s10+$0x0];
	_ =	sdelay $0x4  }
0x22d: {  	v0 =	vshll.u32 v0, $0x4  }
0x22e: {  	(v2sf) =	vpush v0, $0xF  }
0x22f: {  	(v2sf) =	vpush v0, $0x1  }
0x230: {  	(v2sf) =	vpush v0, $0x5  }
0x231: {  	(v2sf) =	vpush v0, $0xE  }
0x232: {  	(v2sf) =	vpush v0, $0x6  }
0x233: {  	(v2sf) =	vpush v0, $0x0  }
0x234: {  	(v2sf) =	vpush v0, $0x9  }
0x235: {  	(v2sf) =	vpush v0, $0x3  }
0x236: {  	(v2sf) =	vpush v0, $0x7  }
0x237: {  	(v2sf) =	vpush v0, $0xD  }
0x238: {  	(v2sf) =	vpush v0, $0xA  }
0x239: {  	(v2sf) =	vpush v0, $0xC;
	_ =	sdelay $0x1  }
0x23a: {  	(v2sf) =	vpush v0, $0x2  }
0x23b: {  	(v2sf) =	vpush v0, $0x4  }
0x23c: {  	(v2sf) =	vpush v0, $0xB;
	s0 =	spop (v2sf)  }
0x23d: {  	(v2sf) =	vpush v0, $0x8;
	s3 =	spop (v2sf)  }
0x23e: {  	s4 =	spop (v2sf)  }
0x23f: {  	s1 =	spop (v2sf)  }
0x240: {  	s5 =	spop (v2sf)  }
0x241: {  	s24 =	spop (v2sf)  }
0x242: {  	s6 =	spop (v2sf)  }
0x243: {  	s26 =	spop (v2sf)  }
0x244: {  	s28 =	rddreg [dreg:$0x7];
	s9 =	spop (v2sf)  }
0x245: {  	s2 =	sadd.s32 s25, s28;
	s10 =	spop (v2sf)  }
0x246: {  	s31 =	sadd.s32 $0x10, s2;
	s29 =	sand.u32 $0x1FFFFFF0, s24;
	s12 =	spop (v2sf)  }
0x247: {  	s18 =	sadd.s32 $0x20, s2;
	s30 =	sadd.s32 s22, s29;
	s11 =	spop (v2sf)  }
0x248: {  	[hbm:s2], [sflag:s21] =	dma.local [hbm:s30], $0x10  }
0x249: {  	s20 =	sadd.s32 $0x30, s2;
	s7 =	sadd.s32 $0x80, s2;
	s8 =	spop (v2sf)  }
0x24a: {  	s0 =	sand.u32 $0x1FFFFFF0, s0;
	s3 =	sand.u32 $0x1FFFFFF0, s3;
	s13 =	spop (v2sf)  }
0x24b: {  	s0 =	sadd.s32 s22, s0;
	s3 =	sadd.s32 s22, s3;
	s14 =	spop (v2sf)  }
0x24c: {  	s25 =	sand.u32 $0x1FFFFFF0, s4;
	s17 =	sand.u32 $0x1FFFFFF0, s8;
	s16 =	spop (v2sf)  }
0x24d: {  	[hbm:s31], [sflag:s21] =	dma.local [hbm:s3], $0x10  }
0x24e: {  	s1 =	sand.u32 $0x1FFFFFF0, s1;
	s19 =	sand.u32 $0x1FFFFFF0, s26;
	s3 =	sadd.s32 s22, s17  }
0x24f: {  	[hbm:s18], [sflag:s21] =	dma.local [hbm:s3], $0x10  }
0x250: {  	s28 =	sand.u32 $0x1FFFFFF0, s5;
	s23 =	sand.u32 $0x1FFFFFF0, s13;
	s3 =	sadd.s32 s22, s19  }
0x251: {  	[hbm:s20], [sflag:s21] =	dma.local [hbm:s3], $0x10  }
0x252: {  	s1 =	sadd.s32 s22, s1;
	s24 =	sadd.s32 $0x40, s2;
	s3 =	sadd.s32 s22, s23  }
0x253: {  	[hbm:s24], [sflag:s21] =	dma.local [hbm:s3], $0x10  }
0x254: {  	s29 =	sadd.s32 $0x60, s2;
	s26 =	sadd.s32 $0x50, s2;
	s3 =	sadd.s32 s22, s25  }
0x255: {  	[hbm:s26], [sflag:s21] =	dma.local [hbm:s3], $0x10  }
0x256: {  	s12 =	sand.u32 $0x1FFFFFF0, s12;
	s30 =	sand.u32 $0x1FFFFFF0, s9;
	s3 =	sadd.s32 s22, s28  }
0x257: {  	[hbm:s29], [sflag:s21] =	dma.local [hbm:s3], $0x10  }
0x258: {  	s31 =	sadd.s32 $0x70, s2;
	s5 =	sand.u32 $0x1FFFFFF0, s16;
	s3 =	sadd.s32 s22, s30  }
0x259: {  	[hbm:s31], [sflag:s21] =	dma.local [hbm:s3], $0x10  }
0x25a: {  	s9 =	sadd.s32 $0x90, s2;
	s8 =	sand.u32 $0x1FFFFFF0, s6;
	s3 =	sadd.s32 s22, s5  }
0x25b: {  	[hbm:s7], [sflag:s21] =	dma.local [hbm:s3], $0x10  }
0x25c: {  	s13 =	sadd.s32 $0xA0, s2;
	s15 =	sand.u32 $0x1FFFFFF0, s14;
	s3 =	sadd.s32 s22, s8  }
0x25d: {  	[hbm:s9], [sflag:s21] =	dma.local [hbm:s3], $0x10  }
0x25e: {  	s16 =	sadd.s32 $0xB0, s2;
	s17 =	sand.u32 $0x1FFFFFF0, s11;
	s3 =	sadd.s32 s22, s12  }
0x25f: {  	[hbm:s13], [sflag:s21] =	dma.local [hbm:s3], $0x10  }
0x260: {  	s18 =	sadd.s32 $0xC0, s2;
	s19 =	sand.u32 $0x1FFFFFF0, s10;
	s3 =	sadd.s32 s22, s15  }
0x261: {  	[hbm:s16], [sflag:s21] =	dma.local [hbm:s3], $0x10  }
0x262: {  	s20 =	sadd.s32 $0xD0, s2;
	s23 =	sadd.s32 $0xE0, s2;
	s3 =	sadd.s32 s22, s17  }
0x263: {  	[hbm:s18], [sflag:s21] =	dma.local [hbm:s3], $0x10  }
0x264: {  	s24 =	sadd.s32 $0xF0, s2;
	s25 =	simm.s32 $0x1;
	s3 =	sadd.s32 s22, s19  }
0x265: {  	[hbm:s20], [sflag:s21] =	dma.local [hbm:s3], $0x10  }
0x266: {  	[hbm:s23], [sflag:s21] =	dma.local [hbm:s1], $0x10  }
0x267: {  	[hbm:s24], [sflag:s21] =	dma.local [hbm:s0], $0x10  }
0x268: {  	_ =	swait.ge [sflag:s25], $0x2000  }
0x269: {  	[sflag:s25] =	ssyncset.done $0x0  }
0x26a: {  	s26 =	simm.s32 $0x2;
	[sflag:s25] =	ssyncadd.s32 $0xFFFFE000  }
0x26b: {  	_ =	swait.ge [sflag:s26], $0x2000  }
0x26c: {  	[sflag:s26] =	ssyncset.done $0x0  }
0x26d: {  	s28 =	simm.s32 $0x3;
	[sflag:s26] =	ssyncadd.s32 $0xFFFFE000  }
0x26e: {  	_ =	swait.ge [sflag:s28], $0x2000  }
0x26f: {  	[sflag:s28] =	ssyncset.done $0x0  }
0x270: {  	s29 =	simm.s32 $0x4;
	[sflag:s28] =	ssyncadd.s32 $0xFFFFE000  }
0x271: {  	_ =	swait.ge [sflag:s29], $0x2000  }
0x272: {  	s30 =	sld [smem:$0x7F8]  }
0x273: {  	s31 =	sld [smem:$0x7FB];
	_ =	sdelay $0x1  }
0x274: {  	s2 =	sadd.s32 $0x1, s30  }
0x275: {  	p0 =	sne.s32 s2, s31  }
.Ltmp4:
0x276: {  	_ = 	snop;
	(pc) =	sbr.rel @p0 .LBB2_1-.Ltmp4, $3  }
0x277: {  	_ =	sdelay $0x1  }
0x278: {  	[sflag:s29] =	ssyncset.done $0x0  }
0x279: {  	s23 =	rddreg [dreg:$0x8];
	[sflag:s29] =	ssyncadd.s32 $0xFFFFE000  }
0x27a: {  	_ =	sfence.sel $0x180000  }
0x27b: {  	[bflag:$0x0] =	sbarrier.arrive $0xFFFF  }
0x27c: {  	_ =	strace $0x90000047  }
0x27d: {  	s0 =	stileid.u32;
	[bflag:$0x2] =	sbarrier.arrive $0xFFFF  }
0x27e: {  	p0 =	sne.s32 s0, $0x0;
	s0 =	rddreg [dreg:$0x3]  }
0x27f: {  	s0 =	sadd.s32 @!p0 $0x100000, s0  }
0x280: {  	[sflag:s0] =	ssyncadd.tile.s32 @!p0 $0x1;
	_ =	shalt  }
.Lfunc_end2:
_tile_overlayer_lowered:
.L_overlay_start_2:
0x281: {  	(tag) =	ssettag $0x2  }
0x282: {  	s0 =	rddreg [dreg:$0x0];
	s2 =	stileid.u32  }
0x283: {  	s1 =	rddreg [dreg:$0x1];
	p0 =	sne.s32 s2, $0x0  }
0x284: {  	s3 =	rddreg [dreg:$0x2];
	[bflag:$0x3] =	sbarrier.arrive $0xFFFF;
	s2 =	simm.s32 @!p0 $0x1C05  }
0x285: {  	[timem:s3], [sflag:s2] =	dma.local @!p0 [hbm:s0], s1  }
0x286: {  	s0 =	simm.s32 @!p0 $0x5  }
0x287: {  	_ =	swait.ge @!p0 [sflag:s0], s1  }
0x288: {  	s1 =	ssub.s32 @!p0 $0x0, s1;
	[sflag:s0] =	ssyncset.done @!p0 $0x0  }
0x289: {  	[sflag:s0] =	ssyncadd.s32 @!p0 s1  }
0x28a: {  	[bflag:$0x3] =	sbarrier.arrive $0xFFFF  }
0x28b: {  	_ =	shalt  }

</sc_bundles>
